<compile_context>
chip_gen: v7x
topology: tpu7x:2x2x1
jax: 0.10.2.dev20260603
libtpu: 0.0.44.dev20260713+nightly
codegen_flags: <defaults>
</compile_context>

<pallas_src>
import functools

import jax
import jax.numpy as jnp
from jax import lax
from jax.experimental import pallas as pl
from jax.experimental.pallas import tpu as pltpu
from jax.experimental.pallas import tpu_sc as plsc

KNN = 8
B = 4
NQ = 2048
NK = 2048
C = 256
QB = 256


def _topk_body(qc_ref, kc_ref, idx_ref):
    qc = qc_ref[0]
    kc = kc_ref[0]
    s = lax.dot_general(qc, kc, (((0,), (0,)), ((), ())),
                        preferred_element_type=jnp.float32)
    qq = jnp.sum(qc * qc, axis=0)
    kk = jnp.sum(kc * kc, axis=0)
    d = (qq[:, None] - 2.0 * s) + kk[None, :]
    col = lax.broadcasted_iota(jnp.int32, (QB, NK), 1)
    kcol = lax.broadcasted_iota(jnp.int32, (QB, KNN), 1)
    acc = jnp.zeros((QB, KNN), jnp.int32)
    for j in range(KNN):
        m = jnp.min(d, axis=1, keepdims=True)
        amin = jnp.min(jnp.where(d == m, col, NK), axis=1, keepdims=True)
        acc = jnp.where(kcol == j, amin, acc)
        d = jnp.where(col == amin, jnp.inf, d)
    idx_ref[0] = acc


def _knn_idx(query_coords, key_coords):
    return pl.pallas_call(
        _topk_body,
        grid=(B, NQ // QB),
        in_specs=[
            pl.BlockSpec((1, 3, QB), lambda b, q: (b, 0, q)),
            pl.BlockSpec((1, 3, NK), lambda b, q: (b, 0, 0)),
        ],
        out_specs=pl.BlockSpec((1, QB, KNN), lambda b, q: (b, q, 0)),
        out_shape=jax.ShapeDtypeStruct((B, NQ, KNN), jnp.int32),
        compiler_params=pltpu.CompilerParams(
            dimension_semantics=("parallel", "parallel")),
    )(query_coords, key_coords)


@functools.lru_cache(maxsize=1)
def _make_sc_gather():
    mesh = plsc.VectorSubcoreMesh(core_axis_name="c", subcore_axis_name="s")
    n_vec = NQ * KNN // 16

    @functools.partial(
        pl.kernel,
        mesh=mesh,
        out_type=jax.ShapeDtypeStruct((B * 2 * C, NQ * KNN), jnp.float32),
        scratch_types=[
            pltpu.VMEM((NQ * KNN,), jnp.int32),
            pltpu.VMEM((NQ * KNN,), jnp.int32),
            pltpu.VMEM((NK,), jnp.float32),
            pltpu.VMEM((NQ,), jnp.float32),
            pltpu.VMEM((NQ * KNN,), jnp.float32),
            pltpu.VMEM((NQ * KNN,), jnp.float32),
        ],
        compiler_params=pltpu.CompilerParams(needs_layout_passes=False),
    )
    def sc_gather(idx_hbm, kf_hbm, qf_hbm, out_hbm,
                  scr_v, scrp_v, krow_v, qrow_v, o1_v, o2_v):
        cid = lax.axis_index("c")
        sid = lax.axis_index("s")
        wid = sid * 2 + cid
        b = wid // 8
        slot = wid % 8
        lane = lax.iota(jnp.int32, 16)
        offs = (lane % 8) * NQ + (lane // 8)
        qpos0 = lane // 8

        pltpu.sync_copy(idx_hbm.at[b], scr_v)

        def build(j, carry):
            v = plsc.load_gather(scr_v, [offs + 2 * j])
            scrp_v[pl.ds(pl.multiple_of(j * 16, 16), 16)] = v
            return carry
        lax.fori_loop(0, n_vec, build, 0)

        def chan(i, carry):
            gc = b * C + slot * 32 + i
            pltpu.sync_copy(kf_hbm.at[gc], krow_v)
            pltpu.sync_copy(qf_hbm.at[gc], qrow_v)

            def inner(j, c2):
                base = pl.multiple_of(j * 16, 16)
                idxv = scrp_v[pl.ds(base, 16)]
                sv = plsc.load_gather(krow_v, [idxv])
                qv = plsc.load_gather(qrow_v, [qpos0 + 2 * j])
                o1_v[pl.ds(base, 16)] = sv - qv
                o2_v[pl.ds(base, 16)] = qv
                return c2
            lax.fori_loop(0, n_vec, inner, 0)

            r1 = b * (2 * C) + slot * 32 + i
            pltpu.sync_copy(o1_v, out_hbm.at[r1])
            pltpu.sync_copy(o2_v, out_hbm.at[r1 + C])
            return carry
        lax.fori_loop(0, C // 8, chan, 0)

    return sc_gather


def kernel(query_coords, query_features, key_coords, key_features):
    idx = _knn_idx(query_coords, key_coords)
    idx2 = idx.reshape(B, NQ * KNN)
    kf2 = key_features.reshape(B * C, NK)
    qf2 = query_features.reshape(B * C, NQ)
    out = _make_sc_gather()(idx2, kf2, qf2)
    return out.reshape(B, 2 * C, NQ, KNN)

# --- scband reference (transcript-rebuilt; emitter-appended) ---
"""Pipeline reference for scband-k-nnquery-48833778155967 (READ-ONLY COPY).

The authoritative reference and input builder live on the scoring server;
editing this copy changes nothing except your own understanding.
"""

import jax, jax.numpy as jnp
import numpy as np

K = 8


def setup_inputs(seed: int = 0):
    key = jax.random.key(seed)
    ks = jax.random.split(key, 4)
    return {
        "query_coords": jax.random.normal(ks[0], (4, 3, 2048), dtype=jnp.float32),
        "query_features": jax.random.normal(ks[1], (4, 256, 2048), dtype=jnp.float32),
        "key_coords": jax.random.normal(ks[2], (4, 3, 2048), dtype=jnp.float32),
        "key_features": jax.random.normal(ks[3], (4, 256, 2048), dtype=jnp.float32),
    }


def _find_knn_flat_indices(query_coords, key_coords, k):
    # knn_index(k, query, key): KNN_CUDA-style, idx [B, k, Nq] indexing into keys
    q = jnp.transpose(query_coords, (0, 2, 1))  # B Nq 3
    kk = jnp.transpose(key_coords, (0, 2, 1))   # B Nk 3
    sqd = (jnp.sum(q * q, axis=-1, keepdims=True)
           - 2.0 * jnp.einsum('bqc,bkc->bqk', q, kk)
           + jnp.sum(kk * kk, axis=-1)[:, None, :])  # B Nq Nk
    _, idx = jax.lax.top_k(-sqd, k)          # B Nq k (smallest distances)
    idx = jnp.transpose(idx, (0, 2, 1))      # B k Nq  <- knn_index output layout
    # module: knn_indices.transpose(-1, -2)
    idx = jnp.transpose(idx, (0, 2, 1))      # B Nq k
    B = query_coords.shape[0]
    Nk = key_coords.shape[2]
    offsets = (jnp.arange(B) * Nk).reshape(-1, 1, 1)
    idx = idx + offsets
    return idx.reshape(-1)


def _gather_neighbor_features(key_features, num_query, flat_idx, k):
    B, C, Nk = key_features.shape
    kf_flat = jnp.transpose(key_features, (0, 2, 1)).reshape(B * Nk, C)
    nb = kf_flat[flat_idx, :]
    # rearrange '(batch k num_query) c -> batch c num_query k' (faithful to module)
    nb = nb.reshape(B, k, num_query, C)
    nb = jnp.transpose(nb, (0, 3, 2, 1))  # B C Nq k
    return nb


def _compute_edge_features(neighbor_features, query_features, k):
    B, C, Nq = query_features.shape
    qe = jnp.broadcast_to(query_features[:, :, :, None], (B, C, Nq, k))
    return jnp.concatenate([neighbor_features - qe, qe], axis=1)


def reference(query_coords, query_features, key_coords, key_features):
    k = K
    flat_idx = jax.lax.stop_gradient(
        _find_knn_flat_indices(query_coords, key_coords, k))
    num_query = query_coords.shape[2]
    nb = _gather_neighbor_features(key_features, num_query, flat_idx, k)
    edge_features = _compute_edge_features(nb, query_features, k)
    return edge_features

if __name__ == "__main__":
    import jax
    _d = setup_inputs()
    print(jax.jit(kernel)(*tuple(_d.values())))

</pallas_src>

<mosaic_0001>
#map = affine_map<(d0, d1) -> (0, 0)>
module attributes {stable_mosaic.version = 14 : i64} {
  func.func @sc_gather(%arg0: i32, %arg1: i32, %arg2: memref<4x16384xi32, #tpu.memory_space<hbm>>, %arg3: memref<1024x2048xf32, #tpu.memory_space<hbm>>, %arg4: memref<1024x2048xf32, #tpu.memory_space<hbm>>, %arg5: memref<2048x16384xf32, #tpu.memory_space<hbm>>, %arg6: memref<16384xi32, #tpu.memory_space<vmem>>, %arg7: memref<16384xi32, #tpu.memory_space<vmem>>, %arg8: memref<2048xf32, #tpu.memory_space<vmem>>, %arg9: memref<2048xf32, #tpu.memory_space<vmem>>, %arg10: memref<16384xf32, #tpu.memory_space<vmem>>, %arg11: memref<16384xf32, #tpu.memory_space<vmem>>) attributes {dimension_semantics = [#tpu.dimension_semantics<core_parallel>, #tpu.dimension_semantics<subcore_parallel>], iteration_bounds = array<i64: 2, 16>, scalar_prefetch = 0 : i64, scratch_operands = 6 : i64, tpu.core_type = #tpu.core_type<sc_vector_subcore>, window_params = [{transform_indices = #map}, {transform_indices = #map}, {transform_indices = #map}, {transform_indices = #map}]} {
    %mul3A = arith.constant 2 : i32
    %mul3A_0 = arith.muli %arg1, %mul3A : i32
    %add3A = arith.addi %mul3A_0, %arg0 : i32
    %jit3A = arith.constant 8 : i32
    %div3A = arith.divsi %add3A, %jit3A : i32
    %sign3A = arith.constant 0 : i32
    %sign3A_1 = arith.cmpi sgt, %add3A, %sign3A : i32
    %sign3A_2 = arith.extui %sign3A_1 : i1 to i32
    %sign3A_3 = arith.constant 0 : i32
    %sign3A_4 = arith.cmpi slt, %add3A, %sign3A_3 : i32
    %sign3A_5 = arith.extui %sign3A_4 : i1 to i32
    %sign3A_6 = arith.subi %sign3A_2, %sign3A_5 : i32
    %sign3A_7 = arith.constant 0 : i32
    %sign3A_8 = arith.cmpi sgt, %jit3A, %sign3A_7 : i32
    %sign3A_9 = arith.extui %sign3A_8 : i1 to i32
    %sign3A_10 = arith.constant 0 : i32
    %sign3A_11 = arith.cmpi slt, %jit3A, %sign3A_10 : i32
    %sign3A_12 = arith.extui %sign3A_11 : i1 to i32
    %sign3A_13 = arith.subi %sign3A_9, %sign3A_12 : i32
    %ne3A = arith.cmpi ne, %sign3A_6, %sign3A_13 : i32
    %rem3A = arith.remsi %add3A, %jit3A : i32
    %ne3A_14 = arith.constant 0 : i32
    %ne3A_15 = arith.cmpi ne, %rem3A, %ne3A_14 : i32
    %and3A = arith.andi %ne3A, %ne3A_15 : i1
    %sub3A = arith.constant 1 : i32
    %sub3A_16 = arith.subi %div3A, %sub3A : i32
    %select_n3A = arith.select %and3A, %sub3A_16, %div3A : i32
    %jit3A_17 = arith.constant 8 : i32
    %eq3A = arith.constant 0 : i32
    %eq3A_18 = arith.cmpi eq, %jit3A_17, %eq3A : i32
    %jit3A_19 = arith.constant 1 : i32
    %select_n3A_20 = arith.select %eq3A_18, %jit3A_19, %jit3A_17 : i32
    %rem3A_21 = arith.remsi %add3A, %select_n3A_20 : i32
    %ne3A_22 = arith.constant 0 : i32
    %ne3A_23 = arith.cmpi ne, %rem3A_21, %ne3A_22 : i32
    %lt3A = arith.constant 0 : i32
    %lt3A_24 = arith.cmpi slt, %rem3A_21, %lt3A : i32
    %lt3A_25 = arith.constant 0 : i32
    %lt3A_26 = arith.cmpi slt, %select_n3A_20, %lt3A_25 : i32
    %ne3A_27 = arith.xori %lt3A_24, %lt3A_26 : i1
    %and3A_28 = arith.andi %ne3A_27, %ne3A_23 : i1
    %add3A_29 = arith.addi %rem3A_21, %select_n3A_20 : i32
    %select_n3A_30 = arith.select %and3A_28, %add3A_29, %rem3A_21 : i32
    %iota3A = tpu.iota {dimensions = array<i32: 0>} : vector<16xi32>
    %jit3A_31 = arith.constant 8 : i32
    %eq3A_32 = arith.constant 0 : i32
    %eq3A_33 = arith.cmpi eq, %jit3A_31, %eq3A_32 : i32
    %jit3A_34 = arith.constant 1 : i32
    %select_n3A_35 = arith.select %eq3A_33, %jit3A_34, %jit3A_31 : i32
    %rem3A_36 = vector.broadcast %select_n3A_35 : i32 to vector<16xi32>
    %rem3A_37 = arith.remsi %iota3A, %rem3A_36 : vector<16xi32>
    %ne3A_38 = arith.constant 0 : i32
    %ne3A_39 = vector.broadcast %ne3A_38 : i32 to vector<16xi32>
    %ne3A_40 = arith.cmpi ne, %rem3A_37, %ne3A_39 : vector<16xi32>
    %lt3A_41 = arith.constant 0 : i32
    %lt3A_42 = vector.broadcast %lt3A_41 : i32 to vector<16xi32>
    %lt3A_43 = arith.cmpi slt, %rem3A_37, %lt3A_42 : vector<16xi32>
    %lt3A_44 = arith.constant 0 : i32
    %lt3A_45 = arith.cmpi slt, %select_n3A_35, %lt3A_44 : i32
    %ne3A_46 = vector.broadcast %lt3A_45 : i1 to vector<16xi1>
    %ne3A_47 = vector.broadcast %ne3A_46 : vector<16xi1> to vector<16xi1>
    %ne3A_48 = arith.xori %lt3A_43, %ne3A_47 : vector<16xi1>
    %and3A_49 = arith.andi %ne3A_48, %ne3A_40 : vector<16xi1>
    %add3A_50 = vector.broadcast %select_n3A_35 : i32 to vector<16xi32>
    %add3A_51 = arith.addi %rem3A_37, %add3A_50 : vector<16xi32>
    %select_n3A_52 = arith.select %and3A_49, %add3A_51, %rem3A_37 : vector<16xi1>, vector<16xi32>
    %mul3A_53 = arith.constant 2048 : i32
    %mul3A_54 = vector.broadcast %mul3A_53 : i32 to vector<16xi32>
    %mul3A_55 = arith.muli %select_n3A_52, %mul3A_54 : vector<16xi32>
    %jit3A_56 = arith.constant 8 : i32
    %div3A_57 = vector.broadcast %jit3A_56 : i32 to vector<16xi32>
    %div3A_58 = arith.divsi %iota3A, %div3A_57 : vector<16xi32>
    %sign3A_59 = arith.constant 0 : i32
    %sign3A_60 = vector.broadcast %sign3A_59 : i32 to vector<16xi32>
    %sign3A_61 = arith.cmpi sgt, %iota3A, %sign3A_60 : vector<16xi32>
    %sign3A_62 = arith.extui %sign3A_61 : vector<16xi1> to vector<16xi32>
    %sign3A_63 = arith.constant 0 : i32
    %sign3A_64 = vector.broadcast %sign3A_63 : i32 to vector<16xi32>
    %sign3A_65 = arith.cmpi slt, %iota3A, %sign3A_64 : vector<16xi32>
    %sign3A_66 = arith.extui %sign3A_65 : vector<16xi1> to vector<16xi32>
    %sign3A_67 = arith.subi %sign3A_62, %sign3A_66 : vector<16xi32>
    %sign3A_68 = arith.constant 0 : i32
    %sign3A_69 = arith.cmpi sgt, %jit3A_56, %sign3A_68 : i32
    %sign3A_70 = arith.extui %sign3A_69 : i1 to i32
    %sign3A_71 = arith.constant 0 : i32
    %sign3A_72 = arith.cmpi slt, %jit3A_56, %sign3A_71 : i32
    %sign3A_73 = arith.extui %sign3A_72 : i1 to i32
    %sign3A_74 = arith.subi %sign3A_70, %sign3A_73 : i32
    %ne3A_75 = vector.broadcast %sign3A_74 : i32 to vector<16xi32>
    %ne3A_76 = arith.cmpi ne, %sign3A_67, %ne3A_75 : vector<16xi32>
    %rem3A_77 = vector.broadcast %jit3A_56 : i32 to vector<16xi32>
    %rem3A_78 = arith.remsi %iota3A, %rem3A_77 : vector<16xi32>
    %ne3A_79 = arith.constant 0 : i32
    %ne3A_80 = vector.broadcast %ne3A_79 : i32 to vector<16xi32>
    %ne3A_81 = arith.cmpi ne, %rem3A_78, %ne3A_80 : vector<16xi32>
    %and3A_82 = arith.andi %ne3A_76, %ne3A_81 : vector<16xi1>
    %sub3A_83 = arith.constant 1 : i32
    %sub3A_84 = vector.broadcast %sub3A_83 : i32 to vector<16xi32>
    %sub3A_85 = arith.subi %div3A_58, %sub3A_84 : vector<16xi32>
    %select_n3A_86 = arith.select %and3A_82, %sub3A_85, %div3A_58 : vector<16xi1>, vector<16xi32>
    %add3A_87 = arith.addi %mul3A_55, %select_n3A_86 : vector<16xi32>
    %jit3A_88 = arith.constant 8 : i32
    %div3A_89 = vector.broadcast %jit3A_88 : i32 to vector<16xi32>
    %div3A_90 = arith.divsi %iota3A, %div3A_89 : vector<16xi32>
    %sign3A_91 = arith.constant 0 : i32
    %sign3A_92 = vector.broadcast %sign3A_91 : i32 to vector<16xi32>
    %sign3A_93 = arith.cmpi sgt, %iota3A, %sign3A_92 : vector<16xi32>
    %sign3A_94 = arith.extui %sign3A_93 : vector<16xi1> to vector<16xi32>
    %sign3A_95 = arith.constant 0 : i32
    %sign3A_96 = vector.broadcast %sign3A_95 : i32 to vector<16xi32>
    %sign3A_97 = arith.cmpi slt, %iota3A, %sign3A_96 : vector<16xi32>
    %sign3A_98 = arith.extui %sign3A_97 : vector<16xi1> to vector<16xi32>
    %sign3A_99 = arith.subi %sign3A_94, %sign3A_98 : vector<16xi32>
    %sign3A_100 = arith.constant 0 : i32
    %sign3A_101 = arith.cmpi sgt, %jit3A_88, %sign3A_100 : i32
    %sign3A_102 = arith.extui %sign3A_101 : i1 to i32
    %sign3A_103 = arith.constant 0 : i32
    %sign3A_104 = arith.cmpi slt, %jit3A_88, %sign3A_103 : i32
    %sign3A_105 = arith.extui %sign3A_104 : i1 to i32
    %sign3A_106 = arith.subi %sign3A_102, %sign3A_105 : i32
    %ne3A_107 = vector.broadcast %sign3A_106 : i32 to vector<16xi32>
    %ne3A_108 = arith.cmpi ne, %sign3A_99, %ne3A_107 : vector<16xi32>
    %rem3A_109 = vector.broadcast %jit3A_88 : i32 to vector<16xi32>
    %rem3A_110 = arith.remsi %iota3A, %rem3A_109 : vector<16xi32>
    %ne3A_111 = arith.constant 0 : i32
    %ne3A_112 = vector.broadcast %ne3A_111 : i32 to vector<16xi32>
    %ne3A_113 = arith.cmpi ne, %rem3A_110, %ne3A_112 : vector<16xi32>
    %and3A_114 = arith.andi %ne3A_108, %ne3A_113 : vector<16xi1>
    %sub3A_115 = arith.constant 1 : i32
    %sub3A_116 = vector.broadcast %sub3A_115 : i32 to vector<16xi32>
    %sub3A_117 = arith.subi %div3A_90, %sub3A_116 : vector<16xi32>
    %select_n3A_118 = arith.select %and3A_114, %sub3A_117, %div3A_90 : vector<16xi1>, vector<16xi32>
    "tpu.region"() ({
      %run_scoped3A = tpu.sem_alloc : memref<!tpu.dma_semaphore, #tpu.memory_space<semaphore_mem>>
      %dma_start3A = arith.constant 0 : i32
      %dma_start3A_130 = tpu.memref_slice %arg2[%select_n3A, %dma_start3A] : memref<4x16384xi32, #tpu.memory_space<hbm>> -> memref<1x16384xi32, #tpu.memory_space<hbm>>
      %dma_start3A_131 = tpu.memref_squeeze %dma_start3A_130 : memref<1x16384xi32, #tpu.memory_space<hbm>> -> memref<16384xi32, #tpu.memory_space<hbm>>
      %dma_start3A_132 = arith.constant 0 : i32
      %dma_start3A_133 = tpu.memref_slice %arg2[%select_n3A, %dma_start3A_132] : memref<4x16384xi32, #tpu.memory_space<hbm>> -> memref<1x16384xi32, #tpu.memory_space<hbm>>
      %dma_start3A_134 = tpu.memref_squeeze %dma_start3A_133 : memref<1x16384xi32, #tpu.memory_space<hbm>> -> memref<16384xi32, #tpu.memory_space<hbm>>
      tpu.enqueue_dma source(%dma_start3A_134 : memref<16384xi32, #tpu.memory_space<hbm>>) target(%arg6 : memref<16384xi32, #tpu.memory_space<vmem>>) target_semaphore(%run_scoped3A : memref<!tpu.dma_semaphore, #tpu.memory_space<semaphore_mem>>)
      %dma_wait3A = arith.constant 0 : i32
      %dma_wait3A_135 = tpu.memref_slice %arg2[%select_n3A, %dma_wait3A] : memref<4x16384xi32, #tpu.memory_space<hbm>> -> memref<1x16384xi32, #tpu.memory_space<hbm>>
      %dma_wait3A_136 = tpu.memref_squeeze %dma_wait3A_135 : memref<1x16384xi32, #tpu.memory_space<hbm>> -> memref<16384xi32, #tpu.memory_space<hbm>>
      %dma_wait3A_137 = arith.constant 0 : i32
      %dma_wait3A_138 = tpu.memref_slice %arg2[%select_n3A, %dma_wait3A_137] : memref<4x16384xi32, #tpu.memory_space<hbm>> -> memref<1x16384xi32, #tpu.memory_space<hbm>>
      %dma_wait3A_139 = tpu.memref_squeeze %dma_wait3A_138 : memref<1x16384xi32, #tpu.memory_space<hbm>> -> memref<16384xi32, #tpu.memory_space<hbm>>
      tpu.wait_dma2 semaphore(%run_scoped3A : memref<!tpu.dma_semaphore, #tpu.memory_space<semaphore_mem>>) src(%dma_wait3A_139 : memref<16384xi32, #tpu.memory_space<hbm>>) dst(%arg6 : memref<16384xi32, #tpu.memory_space<vmem>>)
      tpu.yield
    }) : () -> ()
    %scan3A = arith.constant 0 : i32
    %scan3A_119 = arith.constant 0 : i32
    %scan3A_120 = arith.constant 1024 : i32
    %scan3A_121 = arith.addi %scan3A_119, %scan3A_120 : i32
    %scan3A_122 = arith.constant 1 : i32
    scf.for %scan3A_130 = %scan3A_119 to %scan3A_121 step %scan3A_122  : i32 {
      %mul3A_131 = arith.constant 2 : i32
      %mul3A_132 = arith.muli %mul3A_131, %scan3A_130 : i32
      %add3A_133 = vector.broadcast %mul3A_132 : i32 to vector<16xi32>
      %add3A_134 = arith.addi %add3A_87, %add3A_133 : vector<16xi32>
      %gather3A = tpu.vector_load_idx %arg6[%add3A_134] : memref<16384xi32, #tpu.memory_space<vmem>>[vector<16xi32>], vector<16xi32>,
      %mul3A_135 = arith.constant 16 : i32
      %mul3A_136 = arith.muli %scan3A_130, %mul3A_135 : i32
      %multiple_of3A = tpu.assume_multiple %mul3A_136, 16 : i32
      %swap3A = arith.index_cast %multiple_of3A : i32 to index
      %swap3A_137 = tpu.vector_load %arg7[%swap3A] {strides = array<i32>} : memref<16384xi32, #tpu.memory_space<vmem>>, vector<16xi32>,
      tpu.vector_store %arg7[%swap3A], %gather3A {strides = array<i32>} : memref<16384xi32, #tpu.memory_space<vmem>>, vector<16xi32>,
    }
    %scan3A_123 = arith.constant 1024 : i32
    %scan3A_124 = arith.constant 0 : i32
    %scan3A_125 = arith.constant 0 : i32
    %scan3A_126 = arith.constant 32 : i32
    %scan3A_127 = arith.addi %scan3A_125, %scan3A_126 : i32
    %scan3A_128 = arith.constant 1 : i32
    scf.for %scan3A_130 = %scan3A_125 to %scan3A_127 step %scan3A_128  : i32 {
      %mul3A_131 = arith.constant 256 : i32
      %mul3A_132 = arith.muli %select_n3A, %mul3A_131 : i32
      %mul3A_133 = arith.constant 32 : i32
      %mul3A_134 = arith.muli %select_n3A_30, %mul3A_133 : i32
      %add3A_135 = arith.addi %mul3A_132, %mul3A_134 : i32
      %add3A_136 = arith.addi %add3A_135, %scan3A_130 : i32
      "tpu.region"() ({
        %run_scoped3A = tpu.sem_alloc : memref<!tpu.dma_semaphore, #tpu.memory_space<semaphore_mem>>
        %dma_start3A = arith.constant 0 : i32
        %dma_start3A_151 = tpu.memref_slice %arg3[%add3A_136, %dma_start3A] : memref<1024x2048xf32, #tpu.memory_space<hbm>> -> memref<1x2048xf32, #tpu.memory_space<hbm>>
        %dma_start3A_152 = tpu.memref_squeeze %dma_start3A_151 : memref<1x2048xf32, #tpu.memory_space<hbm>> -> memref<2048xf32, #tpu.memory_space<hbm>>
        %dma_start3A_153 = arith.constant 0 : i32
        %dma_start3A_154 = tpu.memref_slice %arg3[%add3A_136, %dma_start3A_153] : memref<1024x2048xf32, #tpu.memory_space<hbm>> -> memref<1x2048xf32, #tpu.memory_space<hbm>>
        %dma_start3A_155 = tpu.memref_squeeze %dma_start3A_154 : memref<1x2048xf32, #tpu.memory_space<hbm>> -> memref<2048xf32, #tpu.memory_space<hbm>>
        tpu.enqueue_dma source(%dma_start3A_155 : memref<2048xf32, #tpu.memory_space<hbm>>) target(%arg8 : memref<2048xf32, #tpu.memory_space<vmem>>) target_semaphore(%run_scoped3A : memref<!tpu.dma_semaphore, #tpu.memory_space<semaphore_mem>>)
        %dma_wait3A = arith.constant 0 : i32
        %dma_wait3A_156 = tpu.memref_slice %arg3[%add3A_136, %dma_wait3A] : memref<1024x2048xf32, #tpu.memory_space<hbm>> -> memref<1x2048xf32, #tpu.memory_space<hbm>>
        %dma_wait3A_157 = tpu.memref_squeeze %dma_wait3A_156 : memref<1x2048xf32, #tpu.memory_space<hbm>> -> memref<2048xf32, #tpu.memory_space<hbm>>
        %dma_wait3A_158 = arith.constant 0 : i32
        %dma_wait3A_159 = tpu.memref_slice %arg3[%add3A_136, %dma_wait3A_158] : memref<1024x2048xf32, #tpu.memory_space<hbm>> -> memref<1x2048xf32, #tpu.memory_space<hbm>>
        %dma_wait3A_160 = tpu.memref_squeeze %dma_wait3A_159 : memref<1x2048xf32, #tpu.memory_space<hbm>> -> memref<2048xf32, #tpu.memory_space<hbm>>
        tpu.wait_dma2 semaphore(%run_scoped3A : memref<!tpu.dma_semaphore, #tpu.memory_space<semaphore_mem>>) src(%dma_wait3A_160 : memref<2048xf32, #tpu.memory_space<hbm>>) dst(%arg8 : memref<2048xf32, #tpu.memory_space<vmem>>)
        tpu.yield
      }) : () -> ()
      "tpu.region"() ({
        %run_scoped3A = tpu.sem_alloc : memref<!tpu.dma_semaphore, #tpu.memory_space<semaphore_mem>>
        %dma_start3A = arith.constant 0 : i32
        %dma_start3A_151 = tpu.memref_slice %arg4[%add3A_136, %dma_start3A] : memref<1024x2048xf32, #tpu.memory_space<hbm>> -> memref<1x2048xf32, #tpu.memory_space<hbm>>
        %dma_start3A_152 = tpu.memref_squeeze %dma_start3A_151 : memref<1x2048xf32, #tpu.memory_space<hbm>> -> memref<2048xf32, #tpu.memory_space<hbm>>
        %dma_start3A_153 = arith.constant 0 : i32
        %dma_start3A_154 = tpu.memref_slice %arg4[%add3A_136, %dma_start3A_153] : memref<1024x2048xf32, #tpu.memory_space<hbm>> -> memref<1x2048xf32, #tpu.memory_space<hbm>>
        %dma_start3A_155 = tpu.memref_squeeze %dma_start3A_154 : memref<1x2048xf32, #tpu.memory_space<hbm>> -> memref<2048xf32, #tpu.memory_space<hbm>>
        tpu.enqueue_dma source(%dma_start3A_155 : memref<2048xf32, #tpu.memory_space<hbm>>) target(%arg9 : memref<2048xf32, #tpu.memory_space<vmem>>) target_semaphore(%run_scoped3A : memref<!tpu.dma_semaphore, #tpu.memory_space<semaphore_mem>>)
        %dma_wait3A = arith.constant 0 : i32
        %dma_wait3A_156 = tpu.memref_slice %arg4[%add3A_136, %dma_wait3A] : memref<1024x2048xf32, #tpu.memory_space<hbm>> -> memref<1x2048xf32, #tpu.memory_space<hbm>>
        %dma_wait3A_157 = tpu.memref_squeeze %dma_wait3A_156 : memref<1x2048xf32, #tpu.memory_space<hbm>> -> memref<2048xf32, #tpu.memory_space<hbm>>
        %dma_wait3A_158 = arith.constant 0 : i32
        %dma_wait3A_159 = tpu.memref_slice %arg4[%add3A_136, %dma_wait3A_158] : memref<1024x2048xf32, #tpu.memory_space<hbm>> -> memref<1x2048xf32, #tpu.memory_space<hbm>>
        %dma_wait3A_160 = tpu.memref_squeeze %dma_wait3A_159 : memref<1x2048xf32, #tpu.memory_space<hbm>> -> memref<2048xf32, #tpu.memory_space<hbm>>
        tpu.wait_dma2 semaphore(%run_scoped3A : memref<!tpu.dma_semaphore, #tpu.memory_space<semaphore_mem>>) src(%dma_wait3A_160 : memref<2048xf32, #tpu.memory_space<hbm>>) dst(%arg9 : memref<2048xf32, #tpu.memory_space<vmem>>)
        tpu.yield
      }) : () -> ()
      %scan3A_137 = arith.constant 0 : i32
      %scan3A_138 = arith.constant 0 : i32
      %scan3A_139 = arith.constant 1024 : i32
      %scan3A_140 = arith.addi %scan3A_138, %scan3A_139 : i32
      %scan3A_141 = arith.constant 1 : i32
      scf.for %scan3A_151 = %scan3A_138 to %scan3A_140 step %scan3A_141  : i32 {
        %mul3A_152 = arith.constant 16 : i32
        %mul3A_153 = arith.muli %scan3A_151, %mul3A_152 : i32
        %multiple_of3A = tpu.assume_multiple %mul3A_153, 16 : i32
        %get3A = arith.index_cast %multiple_of3A : i32 to index
        %get3A_154 = tpu.vector_load %arg7[%get3A] {strides = array<i32>} : memref<16384xi32, #tpu.memory_space<vmem>>, vector<16xi32>,
        %gather3A = tpu.vector_load_idx %arg8[%get3A_154] : memref<2048xf32, #tpu.memory_space<vmem>>[vector<16xi32>], vector<16xf32>,
        %mul3A_155 = arith.constant 2 : i32
        %mul3A_156 = arith.muli %mul3A_155, %scan3A_151 : i32
        %add3A_157 = vector.broadcast %mul3A_156 : i32 to vector<16xi32>
        %add3A_158 = arith.addi %select_n3A_118, %add3A_157 : vector<16xi32>
        %gather3A_159 = tpu.vector_load_idx %arg9[%add3A_158] : memref<2048xf32, #tpu.memory_space<vmem>>[vector<16xi32>], vector<16xf32>,
        %sub3A_160 = arith.subf %gather3A, %gather3A_159 : vector<16xf32>
        %swap3A = arith.index_cast %multiple_of3A : i32 to index
        %swap3A_161 = tpu.vector_load %arg10[%swap3A] {strides = array<i32>} : memref<16384xf32, #tpu.memory_space<vmem>>, vector<16xf32>,
        tpu.vector_store %arg10[%swap3A], %sub3A_160 {strides = array<i32>} : memref<16384xf32, #tpu.memory_space<vmem>>, vector<16xf32>,
        %swap3A_162 = arith.index_cast %multiple_of3A : i32 to index
        %swap3A_163 = tpu.vector_load %arg11[%swap3A_162] {strides = array<i32>} : memref<16384xf32, #tpu.memory_space<vmem>>, vector<16xf32>,
        tpu.vector_store %arg11[%swap3A_162], %gather3A_159 {strides = array<i32>} : memref<16384xf32, #tpu.memory_space<vmem>>, vector<16xf32>,
      }
      %scan3A_142 = arith.constant 1024 : i32
      %mul3A_143 = arith.constant 512 : i32
      %mul3A_144 = arith.muli %select_n3A, %mul3A_143 : i32
      %mul3A_145 = arith.constant 32 : i32
      %mul3A_146 = arith.muli %select_n3A_30, %mul3A_145 : i32
      %add3A_147 = arith.addi %mul3A_144, %mul3A_146 : i32
      %add3A_148 = arith.addi %add3A_147, %scan3A_130 : i32
      "tpu.region"() ({
        %run_scoped3A = tpu.sem_alloc : memref<!tpu.dma_semaphore, #tpu.memory_space<semaphore_mem>>
        %dma_start3A = arith.constant 0 : i32
        %dma_start3A_151 = tpu.memref_slice %arg5[%add3A_148, %dma_start3A] : memref<2048x16384xf32, #tpu.memory_space<hbm>> -> memref<1x16384xf32, #tpu.memory_space<hbm>>
        %dma_start3A_152 = tpu.memref_squeeze %dma_start3A_151 : memref<1x16384xf32, #tpu.memory_space<hbm>> -> memref<16384xf32, #tpu.memory_space<hbm>>
        %dma_start3A_153 = arith.constant 0 : i32
        %dma_start3A_154 = tpu.memref_slice %arg5[%add3A_148, %dma_start3A_153] : memref<2048x16384xf32, #tpu.memory_space<hbm>> -> memref<1x16384xf32, #tpu.memory_space<hbm>>
        %dma_start3A_155 = tpu.memref_squeeze %dma_start3A_154 : memref<1x16384xf32, #tpu.memory_space<hbm>> -> memref<16384xf32, #tpu.memory_space<hbm>>
        tpu.enqueue_dma source(%arg10 : memref<16384xf32, #tpu.memory_space<vmem>>) target(%dma_start3A_155 : memref<16384xf32, #tpu.memory_space<hbm>>) target_semaphore(%run_scoped3A : memref<!tpu.dma_semaphore, #tpu.memory_space<semaphore_mem>>)
        %dma_wait3A = arith.constant 0 : i32
        %dma_wait3A_156 = tpu.memref_slice %arg5[%add3A_148, %dma_wait3A] : memref<2048x16384xf32, #tpu.memory_space<hbm>> -> memref<1x16384xf32, #tpu.memory_space<hbm>>
        %dma_wait3A_157 = tpu.memref_squeeze %dma_wait3A_156 : memref<1x16384xf32, #tpu.memory_space<hbm>> -> memref<16384xf32, #tpu.memory_space<hbm>>
        %dma_wait3A_158 = arith.constant 0 : i32
        %dma_wait3A_159 = tpu.memref_slice %arg5[%add3A_148, %dma_wait3A_158] : memref<2048x16384xf32, #tpu.memory_space<hbm>> -> memref<1x16384xf32, #tpu.memory_space<hbm>>
        %dma_wait3A_160 = tpu.memref_squeeze %dma_wait3A_159 : memref<1x16384xf32, #tpu.memory_space<hbm>> -> memref<16384xf32, #tpu.memory_space<hbm>>
        tpu.wait_dma2 semaphore(%run_scoped3A : memref<!tpu.dma_semaphore, #tpu.memory_space<semaphore_mem>>) src(%arg10 : memref<16384xf32, #tpu.memory_space<vmem>>) dst(%dma_wait3A_160 : memref<16384xf32, #tpu.memory_space<hbm>>)
        tpu.yield
      }) : () -> ()
      %add3A_149 = arith.constant 256 : i32
      %add3A_150 = arith.addi %add3A_148, %add3A_149 : i32
      "tpu.region"() ({
        %run_scoped3A = tpu.sem_alloc : memref<!tpu.dma_semaphore, #tpu.memory_space<semaphore_mem>>
        %dma_start3A = arith.constant 0 : i32
        %dma_start3A_151 = tpu.memref_slice %arg5[%add3A_150, %dma_start3A] : memref<2048x16384xf32, #tpu.memory_space<hbm>> -> memref<1x16384xf32, #tpu.memory_space<hbm>>
        %dma_start3A_152 = tpu.memref_squeeze %dma_start3A_151 : memref<1x16384xf32, #tpu.memory_space<hbm>> -> memref<16384xf32, #tpu.memory_space<hbm>>
        %dma_start3A_153 = arith.constant 0 : i32
        %dma_start3A_154 = tpu.memref_slice %arg5[%add3A_150, %dma_start3A_153] : memref<2048x16384xf32, #tpu.memory_space<hbm>> -> memref<1x16384xf32, #tpu.memory_space<hbm>>
        %dma_start3A_155 = tpu.memref_squeeze %dma_start3A_154 : memref<1x16384xf32, #tpu.memory_space<hbm>> -> memref<16384xf32, #tpu.memory_space<hbm>>
        tpu.enqueue_dma source(%arg11 : memref<16384xf32, #tpu.memory_space<vmem>>) target(%dma_start3A_155 : memref<16384xf32, #tpu.memory_space<hbm>>) target_semaphore(%run_scoped3A : memref<!tpu.dma_semaphore, #tpu.memory_space<semaphore_mem>>)
        %dma_wait3A = arith.constant 0 : i32
        %dma_wait3A_156 = tpu.memref_slice %arg5[%add3A_150, %dma_wait3A] : memref<2048x16384xf32, #tpu.memory_space<hbm>> -> memref<1x16384xf32, #tpu.memory_space<hbm>>
        %dma_wait3A_157 = tpu.memref_squeeze %dma_wait3A_156 : memref<1x16384xf32, #tpu.memory_space<hbm>> -> memref<16384xf32, #tpu.memory_space<hbm>>
        %dma_wait3A_158 = arith.constant 0 : i32
        %dma_wait3A_159 = tpu.memref_slice %arg5[%add3A_150, %dma_wait3A_158] : memref<2048x16384xf32, #tpu.memory_space<hbm>> -> memref<1x16384xf32, #tpu.memory_space<hbm>>
        %dma_wait3A_160 = tpu.memref_squeeze %dma_wait3A_159 : memref<1x16384xf32, #tpu.memory_space<hbm>> -> memref<16384xf32, #tpu.memory_space<hbm>>
        tpu.wait_dma2 semaphore(%run_scoped3A : memref<!tpu.dma_semaphore, #tpu.memory_space<semaphore_mem>>) src(%arg11 : memref<16384xf32, #tpu.memory_space<vmem>>) dst(%dma_wait3A_160 : memref<16384xf32, #tpu.memory_space<hbm>>)
        tpu.yield
      }) : () -> ()
    }
    %scan3A_129 = arith.constant 32 : i32
    return
  }
}

module attributes {stable_mosaic.version = 14 : i64} {
  func.func @_topk_body(%arg0: i32, %arg1: i32, %arg2: memref<1x3x256xf32, #tpu.memory_space<vmem>>, %arg3: memref<1x3x2048xf32, #tpu.memory_space<vmem>>, %arg4: memref<1x256x8xi32, #tpu.memory_space<vmem>>) attributes {dimension_semantics = [#tpu.dimension_semantics<parallel>, #tpu.dimension_semantics<parallel>], iteration_bounds = array<i64: 4, 8>, scalar_prefetch = 0 : i64, scratch_operands = 0 : i64, tpu.core_type = #tpu.core_type<tc>, window_params = [{transform_indices = @transform_0, window_bounds = array<i64: 1, 3, 256>}, {transform_indices = @transform_1, window_bounds = array<i64: 1, 3, 2048>}, {transform_indices = @transform_2, window_bounds = array<i64: 1, 256, 8>}]} {
    %get3A = arith.constant 0 : index
    %get3A_0 = arith.constant 0 : index
    %get3A_1 = arith.constant 0 : index
    %get3A_2 = vector.load %arg2[%get3A, %get3A_0, %get3A_1] : memref<1x3x256xf32, #tpu.memory_space<vmem>>, vector<1x3x256xf32>
    %get3A_3 = vector.shape_cast %get3A_2 : vector<1x3x256xf32> to vector<3x256xf32>
    %get3A_4 = arith.constant 0 : index
    %get3A_5 = arith.constant 0 : index
    %get3A_6 = arith.constant 0 : index
    %get3A_7 = vector.load %arg3[%get3A_4, %get3A_5, %get3A_6] : memref<1x3x2048xf32, #tpu.memory_space<vmem>>, vector<1x3x2048xf32>
    %get3A_8 = vector.shape_cast %get3A_7 : vector<1x3x2048xf32> to vector<3x2048xf32>
    %dot_general3A = arith.constant dense<0.000000e+00> : vector<256x2048xf32>
    %dot_general3A_9 = tpu.matmul %get3A_3, %get3A_8, %dot_general3A {dimension_numbers = #tpu.dot_dimension_numbers<[0], [0], [1], [1], [0, 1, 1, 1], [], []>, transpose_lhs_hint = false} : vector<3x256xf32>, vector<3x2048xf32>, vector<256x2048xf32> -> vector<256x2048xf32>
    %mul3A = arith.mulf %get3A_3, %get3A_3 : vector<3x256xf32>
    %reduce_sum3A = arith.constant dense<0.000000e+00> : vector<256xf32>
    %reduce_sum3A_10 = vector.multi_reduction <add>, %mul3A, %reduce_sum3A [0] : vector<3x256xf32> to vector<256xf32>
    %mul3A_11 = arith.mulf %get3A_8, %get3A_8 : vector<3x2048xf32>
    %reduce_sum3A_12 = arith.constant dense<0.000000e+00> : vector<2048xf32>
    %reduce_sum3A_13 = vector.multi_reduction <add>, %mul3A_11, %reduce_sum3A_12 [0] : vector<3x2048xf32> to vector<2048xf32>
    %broadcast_in_dim3A = vector.shape_cast %reduce_sum3A_10 : vector<256xf32> to vector<256x1xf32>
    %mul3A_14 = arith.constant 2.000000e+00 : f32
    %mul3A_15 = vector.broadcast %mul3A_14 : f32 to vector<256x2048xf32>
    %mul3A_16 = arith.mulf %mul3A_15, %dot_general3A_9 : vector<256x2048xf32>
    %sub3A = vector.broadcast %broadcast_in_dim3A : vector<256x1xf32> to vector<256x2048xf32>
    %sub3A_17 = arith.subf %sub3A, %mul3A_16 : vector<256x2048xf32>
    %broadcast_in_dim3A_18 = vector.shape_cast %reduce_sum3A_13 : vector<2048xf32> to vector<1x2048xf32>
    %add3A = vector.broadcast %broadcast_in_dim3A_18 : vector<1x2048xf32> to vector<256x2048xf32>
    %add3A_19 = arith.addf %sub3A_17, %add3A : vector<256x2048xf32>
    %iota3A = tpu.iota {dimensions = array<i32: 1>} : vector<256x2048xi32>
    %iota3A_20 = tpu.iota {dimensions = array<i32: 1>} : vector<256x8xi32>
    %broadcast_in_dim3A_21 = arith.constant 0 : i32
    %broadcast_in_dim3A_22 = vector.broadcast %broadcast_in_dim3A_21 : i32 to vector<256x8xi32>
    %reduce_min3A = arith.constant dense<0x7F800000> : vector<256xf32>
    %reduce_min3A_23 = vector.multi_reduction <minimumf>, %add3A_19, %reduce_min3A [1] : vector<256x2048xf32> to vector<256xf32>
    %broadcast_in_dim3A_24 = vector.shape_cast %reduce_min3A_23 : vector<256xf32> to vector<256x1xf32>
    %eq3A = vector.broadcast %broadcast_in_dim3A_24 : vector<256x1xf32> to vector<256x2048xf32>
    %eq3A_25 = arith.cmpf oeq, %add3A_19, %eq3A : vector<256x2048xf32>
    %jit3A = arith.constant 2048 : i32
    %broadcast_in_dim3A_26 = vector.broadcast %jit3A : i32 to vector<256x2048xi32>
    %select_n3A = arith.select %eq3A_25, %iota3A, %broadcast_in_dim3A_26 : vector<256x2048xi1>, vector<256x2048xi32>
    %reduce_min3A_27 = arith.constant dense<2147483647> : vector<256xi32>
    %reduce_min3A_28 = vector.multi_reduction <minsi>, %select_n3A, %reduce_min3A_27 [1] : vector<256x2048xi32> to vector<256xi32>
    %broadcast_in_dim3A_29 = vector.shape_cast %reduce_min3A_28 : vector<256xi32> to vector<256x1xi32>
    %eq3A_30 = arith.constant 0 : i32
    %eq3A_31 = vector.broadcast %eq3A_30 : i32 to vector<256x8xi32>
    %eq3A_32 = arith.cmpi eq, %iota3A_20, %eq3A_31 : vector<256x8xi32>
    %broadcast_in_dim3A_33 = vector.shape_cast %broadcast_in_dim3A_29 : vector<256x1xi32> to vector<256x1xi32>
    %broadcast_in_dim3A_34 = vector.broadcast %broadcast_in_dim3A_33 : vector<256x1xi32> to vector<256x8xi32>
    %select_n3A_35 = arith.select %eq3A_32, %broadcast_in_dim3A_34, %broadcast_in_dim3A_22 : vector<256x8xi1>, vector<256x8xi32>
    %eq3A_36 = vector.broadcast %broadcast_in_dim3A_29 : vector<256x1xi32> to vector<256x2048xi32>
    %eq3A_37 = arith.cmpi eq, %iota3A, %eq3A_36 : vector<256x2048xi32>
    %jit3A_38 = arith.constant 0x7F800000 : f32
    %broadcast_in_dim3A_39 = vector.broadcast %jit3A_38 : f32 to vector<256x2048xf32>
    %select_n3A_40 = arith.select %eq3A_37, %broadcast_in_dim3A_39, %add3A_19 : vector<256x2048xi1>, vector<256x2048xf32>
    %reduce_min3A_41 = arith.constant dense<0x7F800000> : vector<256xf32>
    %reduce_min3A_42 = vector.multi_reduction <minimumf>, %select_n3A_40, %reduce_min3A_41 [1] : vector<256x2048xf32> to vector<256xf32>
    %broadcast_in_dim3A_43 = vector.shape_cast %reduce_min3A_42 : vector<256xf32> to vector<256x1xf32>
    %eq3A_44 = vector.broadcast %broadcast_in_dim3A_43 : vector<256x1xf32> to vector<256x2048xf32>
    %eq3A_45 = arith.cmpf oeq, %select_n3A_40, %eq3A_44 : vector<256x2048xf32>
    %jit3A_46 = arith.constant 2048 : i32
    %broadcast_in_dim3A_47 = vector.broadcast %jit3A_46 : i32 to vector<256x2048xi32>
    %select_n3A_48 = arith.select %eq3A_45, %iota3A, %broadcast_in_dim3A_47 : vector<256x2048xi1>, vector<256x2048xi32>
    %reduce_min3A_49 = arith.constant dense<2147483647> : vector<256xi32>
    %reduce_min3A_50 = vector.multi_reduction <minsi>, %select_n3A_48, %reduce_min3A_49 [1] : vector<256x2048xi32> to vector<256xi32>
    %broadcast_in_dim3A_51 = vector.shape_cast %reduce_min3A_50 : vector<256xi32> to vector<256x1xi32>
    %eq3A_52 = arith.constant 1 : i32
    %eq3A_53 = vector.broadcast %eq3A_52 : i32 to vector<256x8xi32>
    %eq3A_54 = arith.cmpi eq, %iota3A_20, %eq3A_53 : vector<256x8xi32>
    %broadcast_in_dim3A_55 = vector.shape_cast %broadcast_in_dim3A_51 : vector<256x1xi32> to vector<256x1xi32>
    %broadcast_in_dim3A_56 = vector.broadcast %broadcast_in_dim3A_55 : vector<256x1xi32> to vector<256x8xi32>
    %select_n3A_57 = arith.select %eq3A_54, %broadcast_in_dim3A_56, %select_n3A_35 : vector<256x8xi1>, vector<256x8xi32>
    %eq3A_58 = vector.broadcast %broadcast_in_dim3A_51 : vector<256x1xi32> to vector<256x2048xi32>
    %eq3A_59 = arith.cmpi eq, %iota3A, %eq3A_58 : vector<256x2048xi32>
    %jit3A_60 = arith.constant 0x7F800000 : f32
    %broadcast_in_dim3A_61 = vector.broadcast %jit3A_60 : f32 to vector<256x2048xf32>
    %select_n3A_62 = arith.select %eq3A_59, %broadcast_in_dim3A_61, %select_n3A_40 : vector<256x2048xi1>, vector<256x2048xf32>
    %reduce_min3A_63 = arith.constant dense<0x7F800000> : vector<256xf32>
    %reduce_min3A_64 = vector.multi_reduction <minimumf>, %select_n3A_62, %reduce_min3A_63 [1] : vector<256x2048xf32> to vector<256xf32>
    %broadcast_in_dim3A_65 = vector.shape_cast %reduce_min3A_64 : vector<256xf32> to vector<256x1xf32>
    %eq3A_66 = vector.broadcast %broadcast_in_dim3A_65 : vector<256x1xf32> to vector<256x2048xf32>
    %eq3A_67 = arith.cmpf oeq, %select_n3A_62, %eq3A_66 : vector<256x2048xf32>
    %jit3A_68 = arith.constant 2048 : i32
    %broadcast_in_dim3A_69 = vector.broadcast %jit3A_68 : i32 to vector<256x2048xi32>
    %select_n3A_70 = arith.select %eq3A_67, %iota3A, %broadcast_in_dim3A_69 : vector<256x2048xi1>, vector<256x2048xi32>
    %reduce_min3A_71 = arith.constant dense<2147483647> : vector<256xi32>
    %reduce_min3A_72 = vector.multi_reduction <minsi>, %select_n3A_70, %reduce_min3A_71 [1] : vector<256x2048xi32> to vector<256xi32>
    %broadcast_in_dim3A_73 = vector.shape_cast %reduce_min3A_72 : vector<256xi32> to vector<256x1xi32>
    %eq3A_74 = arith.constant 2 : i32
    %eq3A_75 = vector.broadcast %eq3A_74 : i32 to vector<256x8xi32>
    %eq3A_76 = arith.cmpi eq, %iota3A_20, %eq3A_75 : vector<256x8xi32>
    %broadcast_in_dim3A_77 = vector.shape_cast %broadcast_in_dim3A_73 : vector<256x1xi32> to vector<256x1xi32>
    %broadcast_in_dim3A_78 = vector.broadcast %broadcast_in_dim3A_77 : vector<256x1xi32> to vector<256x8xi32>
    %select_n3A_79 = arith.select %eq3A_76, %broadcast_in_dim3A_78, %select_n3A_57 : vector<256x8xi1>, vector<256x8xi32>
    %eq3A_80 = vector.broadcast %broadcast_in_dim3A_73 : vector<256x1xi32> to vector<256x2048xi32>
    %eq3A_81 = arith.cmpi eq, %iota3A, %eq3A_80 : vector<256x2048xi32>
    %jit3A_82 = arith.constant 0x7F800000 : f32
    %broadcast_in_dim3A_83 = vector.broadcast %jit3A_82 : f32 to vector<256x2048xf32>
    %select_n3A_84 = arith.select %eq3A_81, %broadcast_in_dim3A_83, %select_n3A_62 : vector<256x2048xi1>, vector<256x2048xf32>
    %reduce_min3A_85 = arith.constant dense<0x7F800000> : vector<256xf32>
    %reduce_min3A_86 = vector.multi_reduction <minimumf>, %select_n3A_84, %reduce_min3A_85 [1] : vector<256x2048xf32> to vector<256xf32>
    %broadcast_in_dim3A_87 = vector.shape_cast %reduce_min3A_86 : vector<256xf32> to vector<256x1xf32>
    %eq3A_88 = vector.broadcast %broadcast_in_dim3A_87 : vector<256x1xf32> to vector<256x2048xf32>
    %eq3A_89 = arith.cmpf oeq, %select_n3A_84, %eq3A_88 : vector<256x2048xf32>
    %jit3A_90 = arith.constant 2048 : i32
    %broadcast_in_dim3A_91 = vector.broadcast %jit3A_90 : i32 to vector<256x2048xi32>
    %select_n3A_92 = arith.select %eq3A_89, %iota3A, %broadcast_in_dim3A_91 : vector<256x2048xi1>, vector<256x2048xi32>
    %reduce_min3A_93 = arith.constant dense<2147483647> : vector<256xi32>
    %reduce_min3A_94 = vector.multi_reduction <minsi>, %select_n3A_92, %reduce_min3A_93 [1] : vector<256x2048xi32> to vector<256xi32>
    %broadcast_in_dim3A_95 = vector.shape_cast %reduce_min3A_94 : vector<256xi32> to vector<256x1xi32>
    %eq3A_96 = arith.constant 3 : i32
    %eq3A_97 = vector.broadcast %eq3A_96 : i32 to vector<256x8xi32>
    %eq3A_98 = arith.cmpi eq, %iota3A_20, %eq3A_97 : vector<256x8xi32>
    %broadcast_in_dim3A_99 = vector.shape_cast %broadcast_in_dim3A_95 : vector<256x1xi32> to vector<256x1xi32>
    %broadcast_in_dim3A_100 = vector.broadcast %broadcast_in_dim3A_99 : vector<256x1xi32> to vector<256x8xi32>
    %select_n3A_101 = arith.select %eq3A_98, %broadcast_in_dim3A_100, %select_n3A_79 : vector<256x8xi1>, vector<256x8xi32>
    %eq3A_102 = vector.broadcast %broadcast_in_dim3A_95 : vector<256x1xi32> to vector<256x2048xi32>
    %eq3A_103 = arith.cmpi eq, %iota3A, %eq3A_102 : vector<256x2048xi32>
    %jit3A_104 = arith.constant 0x7F800000 : f32
    %broadcast_in_dim3A_105 = vector.broadcast %jit3A_104 : f32 to vector<256x2048xf32>
    %select_n3A_106 = arith.select %eq3A_103, %broadcast_in_dim3A_105, %select_n3A_84 : vector<256x2048xi1>, vector<256x2048xf32>
    %reduce_min3A_107 = arith.constant dense<0x7F800000> : vector<256xf32>
    %reduce_min3A_108 = vector.multi_reduction <minimumf>, %select_n3A_106, %reduce_min3A_107 [1] : vector<256x2048xf32> to vector<256xf32>
    %broadcast_in_dim3A_109 = vector.shape_cast %reduce_min3A_108 : vector<256xf32> to vector<256x1xf32>
    %eq3A_110 = vector.broadcast %broadcast_in_dim3A_109 : vector<256x1xf32> to vector<256x2048xf32>
    %eq3A_111 = arith.cmpf oeq, %select_n3A_106, %eq3A_110 : vector<256x2048xf32>
    %jit3A_112 = arith.constant 2048 : i32
    %broadcast_in_dim3A_113 = vector.broadcast %jit3A_112 : i32 to vector<256x2048xi32>
    %select_n3A_114 = arith.select %eq3A_111, %iota3A, %broadcast_in_dim3A_113 : vector<256x2048xi1>, vector<256x2048xi32>
    %reduce_min3A_115 = arith.constant dense<2147483647> : vector<256xi32>
    %reduce_min3A_116 = vector.multi_reduction <minsi>, %select_n3A_114, %reduce_min3A_115 [1] : vector<256x2048xi32> to vector<256xi32>
    %broadcast_in_dim3A_117 = vector.shape_cast %reduce_min3A_116 : vector<256xi32> to vector<256x1xi32>
    %eq3A_118 = arith.constant 4 : i32
    %eq3A_119 = vector.broadcast %eq3A_118 : i32 to vector<256x8xi32>
    %eq3A_120 = arith.cmpi eq, %iota3A_20, %eq3A_119 : vector<256x8xi32>
    %broadcast_in_dim3A_121 = vector.shape_cast %broadcast_in_dim3A_117 : vector<256x1xi32> to vector<256x1xi32>
    %broadcast_in_dim3A_122 = vector.broadcast %broadcast_in_dim3A_121 : vector<256x1xi32> to vector<256x8xi32>
    %select_n3A_123 = arith.select %eq3A_120, %broadcast_in_dim3A_122, %select_n3A_101 : vector<256x8xi1>, vector<256x8xi32>
    %eq3A_124 = vector.broadcast %broadcast_in_dim3A_117 : vector<256x1xi32> to vector<256x2048xi32>
    %eq3A_125 = arith.cmpi eq, %iota3A, %eq3A_124 : vector<256x2048xi32>
    %jit3A_126 = arith.constant 0x7F800000 : f32
    %broadcast_in_dim3A_127 = vector.broadcast %jit3A_126 : f32 to vector<256x2048xf32>
    %select_n3A_128 = arith.select %eq3A_125, %broadcast_in_dim3A_127, %select_n3A_106 : vector<256x2048xi1>, vector<256x2048xf32>
    %reduce_min3A_129 = arith.constant dense<0x7F800000> : vector<256xf32>
    %reduce_min3A_130 = vector.multi_reduction <minimumf>, %select_n3A_128, %reduce_min3A_129 [1] : vector<256x2048xf32> to vector<256xf32>
    %broadcast_in_dim3A_131 = vector.shape_cast %reduce_min3A_130 : vector<256xf32> to vector<256x1xf32>
    %eq3A_132 = vector.broadcast %broadcast_in_dim3A_131 : vector<256x1xf32> to vector<256x2048xf32>
    %eq3A_133 = arith.cmpf oeq, %select_n3A_128, %eq3A_132 : vector<256x2048xf32>
    %jit3A_134 = arith.constant 2048 : i32
    %broadcast_in_dim3A_135 = vector.broadcast %jit3A_134 : i32 to vector<256x2048xi32>
    %select_n3A_136 = arith.select %eq3A_133, %iota3A, %broadcast_in_dim3A_135 : vector<256x2048xi1>, vector<256x2048xi32>
    %reduce_min3A_137 = arith.constant dense<2147483647> : vector<256xi32>
    %reduce_min3A_138 = vector.multi_reduction <minsi>, %select_n3A_136, %reduce_min3A_137 [1] : vector<256x2048xi32> to vector<256xi32>
    %broadcast_in_dim3A_139 = vector.shape_cast %reduce_min3A_138 : vector<256xi32> to vector<256x1xi32>
    %eq3A_140 = arith.constant 5 : i32
    %eq3A_141 = vector.broadcast %eq3A_140 : i32 to vector<256x8xi32>
    %eq3A_142 = arith.cmpi eq, %iota3A_20, %eq3A_141 : vector<256x8xi32>
    %broadcast_in_dim3A_143 = vector.shape_cast %broadcast_in_dim3A_139 : vector<256x1xi32> to vector<256x1xi32>
    %broadcast_in_dim3A_144 = vector.broadcast %broadcast_in_dim3A_143 : vector<256x1xi32> to vector<256x8xi32>
    %select_n3A_145 = arith.select %eq3A_142, %broadcast_in_dim3A_144, %select_n3A_123 : vector<256x8xi1>, vector<256x8xi32>
    %eq3A_146 = vector.broadcast %broadcast_in_dim3A_139 : vector<256x1xi32> to vector<256x2048xi32>
    %eq3A_147 = arith.cmpi eq, %iota3A, %eq3A_146 : vector<256x2048xi32>
    %jit3A_148 = arith.constant 0x7F800000 : f32
    %broadcast_in_dim3A_149 = vector.broadcast %jit3A_148 : f32 to vector<256x2048xf32>
    %select_n3A_150 = arith.select %eq3A_147, %broadcast_in_dim3A_149, %select_n3A_128 : vector<256x2048xi1>, vector<256x2048xf32>
    %reduce_min3A_151 = arith.constant dense<0x7F800000> : vector<256xf32>
    %reduce_min3A_152 = vector.multi_reduction <minimumf>, %select_n3A_150, %reduce_min3A_151 [1] : vector<256x2048xf32> to vector<256xf32>
    %broadcast_in_dim3A_153 = vector.shape_cast %reduce_min3A_152 : vector<256xf32> to vector<256x1xf32>
    %eq3A_154 = vector.broadcast %broadcast_in_dim3A_153 : vector<256x1xf32> to vector<256x2048xf32>
    %eq3A_155 = arith.cmpf oeq, %select_n3A_150, %eq3A_154 : vector<256x2048xf32>
    %jit3A_156 = arith.constant 2048 : i32
    %broadcast_in_dim3A_157 = vector.broadcast %jit3A_156 : i32 to vector<256x2048xi32>
    %select_n3A_158 = arith.select %eq3A_155, %iota3A, %broadcast_in_dim3A_157 : vector<256x2048xi1>, vector<256x2048xi32>
    %reduce_min3A_159 = arith.constant dense<2147483647> : vector<256xi32>
    %reduce_min3A_160 = vector.multi_reduction <minsi>, %select_n3A_158, %reduce_min3A_159 [1] : vector<256x2048xi32> to vector<256xi32>
    %broadcast_in_dim3A_161 = vector.shape_cast %reduce_min3A_160 : vector<256xi32> to vector<256x1xi32>
    %eq3A_162 = arith.constant 6 : i32
    %eq3A_163 = vector.broadcast %eq3A_162 : i32 to vector<256x8xi32>
    %eq3A_164 = arith.cmpi eq, %iota3A_20, %eq3A_163 : vector<256x8xi32>
    %broadcast_in_dim3A_165 = vector.shape_cast %broadcast_in_dim3A_161 : vector<256x1xi32> to vector<256x1xi32>
    %broadcast_in_dim3A_166 = vector.broadcast %broadcast_in_dim3A_165 : vector<256x1xi32> to vector<256x8xi32>
    %select_n3A_167 = arith.select %eq3A_164, %broadcast_in_dim3A_166, %select_n3A_145 : vector<256x8xi1>, vector<256x8xi32>
    %eq3A_168 = vector.broadcast %broadcast_in_dim3A_161 : vector<256x1xi32> to vector<256x2048xi32>
    %eq3A_169 = arith.cmpi eq, %iota3A, %eq3A_168 : vector<256x2048xi32>
    %jit3A_170 = arith.constant 0x7F800000 : f32
    %broadcast_in_dim3A_171 = vector.broadcast %jit3A_170 : f32 to vector<256x2048xf32>
    %select_n3A_172 = arith.select %eq3A_169, %broadcast_in_dim3A_171, %select_n3A_150 : vector<256x2048xi1>, vector<256x2048xf32>
    %reduce_min3A_173 = arith.constant dense<0x7F800000> : vector<256xf32>
    %reduce_min3A_174 = vector.multi_reduction <minimumf>, %select_n3A_172, %reduce_min3A_173 [1] : vector<256x2048xf32> to vector<256xf32>
    %broadcast_in_dim3A_175 = vector.shape_cast %reduce_min3A_174 : vector<256xf32> to vector<256x1xf32>
    %eq3A_176 = vector.broadcast %broadcast_in_dim3A_175 : vector<256x1xf32> to vector<256x2048xf32>
    %eq3A_177 = arith.cmpf oeq, %select_n3A_172, %eq3A_176 : vector<256x2048xf32>
    %jit3A_178 = arith.constant 2048 : i32
    %broadcast_in_dim3A_179 = vector.broadcast %jit3A_178 : i32 to vector<256x2048xi32>
    %select_n3A_180 = arith.select %eq3A_177, %iota3A, %broadcast_in_dim3A_179 : vector<256x2048xi1>, vector<256x2048xi32>
    %reduce_min3A_181 = arith.constant dense<2147483647> : vector<256xi32>
    %reduce_min3A_182 = vector.multi_reduction <minsi>, %select_n3A_180, %reduce_min3A_181 [1] : vector<256x2048xi32> to vector<256xi32>
    %broadcast_in_dim3A_183 = vector.shape_cast %reduce_min3A_182 : vector<256xi32> to vector<256x1xi32>
    %eq3A_184 = arith.constant 7 : i32
    %eq3A_185 = vector.broadcast %eq3A_184 : i32 to vector<256x8xi32>
    %eq3A_186 = arith.cmpi eq, %iota3A_20, %eq3A_185 : vector<256x8xi32>
    %broadcast_in_dim3A_187 = vector.shape_cast %broadcast_in_dim3A_183 : vector<256x1xi32> to vector<256x1xi32>
    %broadcast_in_dim3A_188 = vector.broadcast %broadcast_in_dim3A_187 : vector<256x1xi32> to vector<256x8xi32>
    %select_n3A_189 = arith.select %eq3A_186, %broadcast_in_dim3A_188, %select_n3A_167 : vector<256x8xi1>, vector<256x8xi32>
    %swap3A = arith.constant 0 : index
    %swap3A_190 = arith.constant 0 : index
    %swap3A_191 = arith.constant 0 : index
    %swap3A_192 = vector.load %arg4[%swap3A, %swap3A_190, %swap3A_191] : memref<1x256x8xi32, #tpu.memory_space<vmem>>, vector<1x256x8xi32>
    %swap3A_193 = vector.shape_cast %swap3A_192 : vector<1x256x8xi32> to vector<256x8xi32>
    %swap3A_194 = vector.shape_cast %select_n3A_189 : vector<256x8xi32> to vector<1x256x8xi32>
    tpu.vector_store %arg4[%swap3A, %swap3A_190, %swap3A_191], %swap3A_194 {strides = array<i32>} : memref<1x256x8xi32, #tpu.memory_space<vmem>>, vector<1x256x8xi32>,
    return
  }
  func.func @transform_0(%arg0: i32, %arg1: i32) -> (i32, i32, i32) {
    %c0_i32 = arith.constant 0 : i32
    %c0_i32_0 = arith.constant 0 : i32
    return %arg0, %c0_i32, %arg1 : i32, i32, i32
  }
  func.func @transform_1(%arg0: i32, %arg1: i32) -> (i32, i32, i32) {
    %c0_i32 = arith.constant 0 : i32
    %c0_i32_0 = arith.constant 0 : i32
    %c0_i32_1 = arith.constant 0 : i32
    return %arg0, %c0_i32, %c0_i32_0 : i32, i32, i32
  }
  func.func @transform_2(%arg0: i32, %arg1: i32) -> (i32, i32, i32) {
    %c0_i32 = arith.constant 0 : i32
    %c0_i32_0 = arith.constant 0 : i32
    return %arg0, %arg1, %c0_i32 : i32, i32, i32
  }
}

</mosaic_0001>

<sc_bundles>
// kernel: kernel.4.cloned.1.call-start
scs
__scs_entry_jumppad:
0x0: {  	(pc) =	sbr.rel $0x88, $3  }
0x1: {  	(tag) =	ssettag $0x0;
	lr =	simm.s32 $0x1  }
0x2: {  	[smem:$0x3F9D] =	sst lr;
	_ =	strace $0xD0000000  }
0x3: {  	_ = 	snop  }
0x4: {  	_ = 	snop  }
0x5: {  	_ = 	snop  }
0x6: {  	_ = 	snop  }
0x7: {  	_ = 	snop  }
__scs_overlays_trampoline_lowered:
0x8: {  	[smem:$0x3FAC] =	sst s0  }
0x9: {  	[smem:$0x3FAD] =	sst s1  }
0xa: {  	[smem:$0x3FAE] =	sst s2  }
0xb: {  	[smem:$0x3FAF] =	sst s3  }
0xc: {  	[smem:$0x3FB0] =	sst s4  }
0xd: {  	[smem:$0x3FB1] =	sst s5  }
0xe: {  	[smem:$0x3FB2] =	sst s6  }
0xf: {  	[smem:$0x3FB3] =	sst s7  }
0x10: {  	[smem:$0x3FB4] =	sst s8  }
0x11: {  	[smem:$0x3FB5] =	sst s9;
	s0 =	simm.s32 @!p0 $0x0  }
0x12: {  	s1 =	sld [smem:$0x3F9B];
	s0 =	simm.s32 @p0 $0x1  }
0x13: {  	[smem:$0x3FB6] =	sst s0;
	s0 =	simm.s32 @!p1 $0x0  }
0x14: {  	s2 =	sld [smem:$0x3F9A];
	s0 =	simm.s32 @p1 $0x1  }
0x15: {  	[smem:$0x3FB7] =	sst s0;
	s0 =	simm.s32 @!p2 $0x0  }
0x16: {  	s3 =	sld [smem:$0x3FDB];
	s0 =	simm.s32 @p2 $0x1  }
0x17: {  	s4 =	simm.s32 $0x1BF5;
	[smem:$0x3FB9] =	sst s0  }
0x18: {  	s0 =	sld [smem:$0x3F9C];
	_ =	swait.ge [sflag:s4], $0x0  }
0x19: {  	s7 =	sld [smem:$0x3F9D]  }
0x1a: {  	s8 =	sadd.s32 $0xFFFFE003, lr  }
0x1b: {  	s9 =	sadd.s32 $0xFFFFFEF7, lr;
	s5 =	simm.s32 $0xFFFFFFFF;
	p2 =	slt.u32 s8, $0xFFFFF086  }
0x1c: {  	p1 =	slt.u32 s9, $0xF7A;
	s5 =	simm.s32 @!p2 $0x0  }
0x1d: {  	s5 =	simm.s32 @p1 $0x1;
	p0 =	seq.s32 s7, s2  }
0x1e: {  	s7 =	smul.u32 @!p0 $0xF7A, s2;
	p2 =	seq.s32 @!p0 s5, $0x0  }
0x1f: {  	s9 =	smul.u32 $0xF7A, s1;
	s8 =	simm.s32 @!p0 $0x1BF5;
	p2 =	por !p2, p0  }
0x20: {  	[sflag:s8] =	ssyncset.s32 @!p0 $0xFFFFF086;
	s6 =	sadd.s32 @!p0 s3, s7;
	s7 =	simm.s32 @!p0 $0x108  }
0x21: {  	s3 =	sadd.s32 s3, s9;
	s6 =	sadd.s32 @!p0 $0x88, s6;
	s7 =	simm.s32 @p2 $0x1082  }
0x22: {  	[simem:s7], [sflag:s8] =	dma.local @!p0 [hbm:s6], $0xF7A  }
0x23: {  	s9 =	sor.u32 $0xD0000000, s2;
	s6 =	simm.s32 $0x108;
	_ =	swait.ge @!p0 [sflag:s8], $0x0  }
0x24: {  	s3 =	sadd.s32 $0x88, s3;
	s6 =	simm.s32 @!p1 $0x1082;
	[sflag:s4] =	ssyncset.s32 $0xFFFFF086  }
0x25: {  	[simem:s6], [sflag:s4] =	dma.local [hbm:s3], $0xF7A  }
0x26: {  	[smem:$0x3F9D] =	sst s1;
	(tag) =	ssettag s2;
	_ =	strace s9  }
0x27: {  	s1 =	sld [smem:$0x3FAD]  }
0x28: {  	s2 =	sld [smem:$0x3FAE]  }
0x29: {  	s4 =	sld [smem:$0x3FB0]  }
0x2a: {  	p0 =	seq.s32 s5, $0x0;
	s5 =	sld [smem:$0x3FB1]  }
0x2b: {  	s6 =	sld [smem:$0x3FB2]  }
0x2c: {  	s7 =	sld [smem:$0x3FB3]  }
0x2d: {  	s3 =	simm.s32 $0x108;
	s8 =	sld [smem:$0x3FB4]  }
0x2e: {  	s3 =	simm.s32 @!p0 $0x1082;
	s9 =	sld [smem:$0x3FB5]  }
0x2f: {  	lr =	sadd.s32 s0, s3;
	s0 =	sld [smem:$0x3FAC]  }
0x30: {  	s3 =	sld [smem:$0x3FAF]  }
0x31: {  	[smem:$0x3FB8] =	sst s10  }
0x32: {  	s10 =	sld [smem:$0x3FB6];
	_ =	sdelay $0x3  }
0x33: {  	p0 =	seq.s32 s10, $0x1;
	s10 =	sld [smem:$0x3FB8];
	_ =	sdelay $0x3  }
0x34: {  	[smem:$0x3FB8] =	sst s10  }
0x35: {  	s10 =	sld [smem:$0x3FB7];
	_ =	sdelay $0x3  }
0x36: {  	p1 =	seq.s32 s10, $0x1;
	s10 =	sld [smem:$0x3FB8];
	_ =	sdelay $0x3  }
0x37: {  	[smem:$0x3FB8] =	sst s10  }
0x38: {  	s10 =	sld [smem:$0x3FB9]  }
0x39: {  	_ = 	snop;
	(pc) =	sbr.ind lr, $3  }
0x3a: {  	_ = 	snop  }
0x3b: {  	_ = 	snop  }
0x3c: {  	p2 =	seq.s32 s10, $0x1;
	s10 =	sld [smem:$0x3FB8]  }
0x3d: {  	_ =	shalt  }
0x3e: {  	_ =	shalt  }
0x3f: {  	_ =	shalt  }
0x40: {  	_ =	shalt  }
0x41: {  	_ =	shalt  }
0x42: {  	_ =	shalt  }
0x43: {  	_ =	shalt  }
0x44: {  	_ =	shalt  }
0x45: {  	_ =	shalt  }
0x46: {  	_ =	shalt  }
0x47: {  	_ =	shalt  }
0x48: {  	_ =	shalt  }
0x49: {  	_ =	shalt  }
0x4a: {  	_ =	shalt  }
0x4b: {  	_ =	shalt  }
0x4c: {  	_ =	shalt  }
0x4d: {  	_ =	shalt  }
0x4e: {  	_ =	shalt  }
0x4f: {  	_ =	shalt  }
0x50: {  	_ =	shalt  }
0x51: {  	_ =	shalt  }
0x52: {  	_ =	shalt  }
0x53: {  	_ =	shalt  }
0x54: {  	_ =	shalt  }
0x55: {  	_ =	shalt  }
0x56: {  	_ =	shalt  }
0x57: {  	_ =	shalt  }
0x58: {  	_ =	shalt  }
0x59: {  	_ =	shalt  }
0x5a: {  	_ =	shalt  }
0x5b: {  	_ =	shalt  }
0x5c: {  	_ =	shalt  }
0x5d: {  	_ =	shalt  }
0x5e: {  	_ =	shalt  }
0x5f: {  	_ =	shalt  }
0x60: {  	_ =	shalt  }
0x61: {  	_ =	shalt  }
0x62: {  	_ =	shalt  }
0x63: {  	_ =	shalt  }
0x64: {  	_ =	shalt  }
0x65: {  	_ =	shalt  }
0x66: {  	_ =	shalt  }
0x67: {  	_ =	shalt  }
0x68: {  	_ =	shalt  }
0x69: {  	_ =	shalt  }
0x6a: {  	_ =	shalt  }
0x6b: {  	_ =	shalt  }
0x6c: {  	_ =	shalt  }
0x6d: {  	_ =	shalt  }
0x6e: {  	_ =	shalt  }
0x6f: {  	_ =	shalt  }
0x70: {  	_ =	shalt  }
0x71: {  	_ =	shalt  }
0x72: {  	_ =	shalt  }
0x73: {  	_ =	shalt  }
0x74: {  	_ =	shalt  }
0x75: {  	_ =	shalt  }
0x76: {  	_ =	shalt  }
0x77: {  	_ =	shalt  }
0x78: {  	_ =	shalt  }
0x79: {  	_ =	shalt  }
0x7a: {  	_ =	shalt  }
0x7b: {  	_ =	shalt  }
0x7c: {  	_ =	shalt  }
0x7d: {  	_ =	shalt  }
0x7e: {  	_ =	shalt  }
0x7f: {  	_ =	shalt  }
0x80: {  	_ =	shalt  }
0x81: {  	_ =	shalt  }
0x82: {  	_ =	shalt  }
0x83: {  	_ =	shalt  }
0x84: {  	_ =	shalt  }
0x85: {  	_ =	shalt  }
0x86: {  	_ =	shalt  }
0x87: {  	_ =	shalt  }
.Lfunc_end0:
.L_simem_size_0:
called_computation.1_lowered:
.L_overlay_start_0:
0x88: {  	s2 =	sld [smem:$0x3FD9]  }
0x89: {  	s3 =	sld [smem:$0x3FFE];
	_ =	sdelay $0x1  }
0x8a: {  	s1 =	srdreg.scid  }
0x8b: {  	s0 =	sand.u32 $0x1, s1  }
0x8c: {  	s17 =	sshll.u32 s0, $0xA;
	s2 =	sadd.s32 s3, s2  }
0x8d: {  	s2 =	sadd.s32 s2, s17  }
0x8e: {  	[smem:$0x3FC4] =	sst s2  }
0x8f: {  	_ = 	snop  }
0x90: {  	s2 =	sld [smem:$0x3FC8]  }
0x91: {  	s18 =	sld [smem:$0x3FC6]  }
0x92: {  	s4 =	sld [smem:$0x3FD0];
	(tm) =	ssettm $0x1  }
0x93: {  	s5 =	sld [smem:$0x3FFB];
	_ =	sdelay $0x3  }
0x94: {  	_ =	strace s5  }
0x95: {  	s5 =	sld [smem:$0x3FFC];
	_ =	sdelay $0x3  }
0x96: {  	_ =	strace s5  }
0x97: {  	s5 =	sld [smem:$0x3FFD];
	_ =	sdelay $0x3  }
0x98: {  	_ =	strace s5  }
0x99: {  	_ =	strace $0x8FFFFFFF  }
0x9a: {  	s19 =	sld [smem:$0x3FDB];
	_ =	sdelay $0x1  }
0x9b: {  	s6 =	simm.s32 $_scs_section_size  }
0x9c: {  	s7 =	simm.s32 $_size__tile_overlayer_lowered;
	s8 =	simm.s32 $_tile_overlayer_lowered  }
0x9d: {  	s22 =	simm.s32 $0x1BFF;
	s21 =	sshll.u32 s8, $0x1;
	s5 =	sadd.s32 s6, s19  }
0x9e: {  	s9 =	simm.s32 $0x0;
	s20 =	sshll.u32 s7, $0x1;
	s7 =	sadd.s32 s21, s5  }
0x9f: {  	[timem:s9], [sflag:s22] =	dma.local [hbm:s7], s20  }
0xa0: {  	_ =	swait.ge [sflag:s22], s20  }
0xa1: {  	s6 =	ssub.s32 $0x0, s20;
	[sflag:s22] =	ssyncset.done $0x0  }
0xa2: {  	[sflag:s22] =	ssyncadd.s32 s6;
	_ =	sdelay $0x1  }
0xa3: {  	s23 =	simm.s32 $0x1B8B  }
0xa4: {  	_ =	swait.ge [sflag:s23], $0x1  }
0xa5: {  	[sflag:s23] =	ssyncset.done $0x0  }
0xa6: {  	s25 =	simm.s32 $0x1B8E;
	s24 =	sld [smem:$0x3FFE];
	[sflag:s23] =	ssyncadd.s32 $0xFFFFFFFF  }
0xa7: {  	s26 =	simm.s32 $execute0_lowered;
	[smem:$0x3FD2] =	sst s25  }
0xa8: {  	s7 =	sshll.u32 s26, $0x1;
	_ =	strace $0x80000046;
	[dreg:$0x1] =	wrdreg $0xFFFFFFFF  }
0xa9: {  	s28 =	simm.s32 $_size_execute0_lowered;
	s5 =	sadd.s32 s5, s7;
	[dreg:$0x0] =	wrdreg $0x0  }
0xaa: {  	s7 =	sshll.u32 s28, $0x1;
	[dreg:$0x2] =	wrdreg s5  }
0xab: {  	[dreg:$0x3] =	wrdreg s7  }
0xac: {  	[dreg:$0x4] =	wrdreg $0xC0  }
0xad: {  	_ =	task [dreg:s9], $0x5FFFF  }
0xae: {  	[dreg:$0x1] =	wrdreg $0xFFFFFFFF  }
0xaf: {  	[dreg:$0x0] =	wrdreg $0x60  }
0xb0: {  	[dreg:$0x2] =	wrdreg s4  }
0xb1: {  	[dreg:$0x3] =	wrdreg s18  }
0xb2: {  	[dreg:$0x4] =	wrdreg s2  }
0xb3: {  	[dreg:$0x5] =	wrdreg s24  }
0xb4: {  	[dreg:$0x6] =	wrdreg $0x9  }
0xb5: {  	_ =	task.clear_ibuf [dreg:s9], $0x7FFFF;
	_ =	strace $0x90000046  }
0xb6: {  	s29 =	simm.s32 $0x9;
	_ =	strace $0x80000048  }
0xb7: {  	_ =	swait.ge [sflag:s29], $0x1  }
0xb8: {  	[sflag:s29] =	ssyncadd.s32 $0xFFFFFFFF  }
0xb9: {  	_ =	strace $0x90000048  }
0xba: {  	_ =	sfence  }
0xbb: {  	s30 =	sld [smem:$0x0];
	_ =	sdelay $0x2  }
0xbc: {  	s31 =	sshll.u32 s1, $0xD;
	s1 =	sshrl.u32 s1, $0x2  }
0xbd: {  	s3 =	sand.u32 $0x4000, s31;
	s1 =	sadd.s32 s1, s30  }
0xbe: {  	s0 =	sor.u32 s3, s0;
	s1 =	sshll.u32 s1, $0x11  }
0xbf: {  	s0 =	sor.u32 s1, s0  }
0xc0: {  	s0 =	sadd.s32 $0x8F2B, s0  }
0xc1: {  	[sflag:s0] =	ssyncadd.remote.s32 $0x1  }
0xc2: {  	_ =	sfence.sel $0xFFFF  }
0xc3: {  	[dreg:$0x0] =	wrdreg $0xFFFFFFFF;
	(pc) =	sbr.abs _section_cstart, $3  }
0xc4: {  	[dreg:$0x1] =	wrdreg $0xFFFFFFFF  }
0xc5: {  	_ =	task.clear_ibuf [dreg:s9], $0x2FFFF;
	_ =	strace $0x9FFFFFFF  }
0xc6: {  	(tm) =	ssettm $0x7FFFFFFF  }
0xc7: {  	_ =	shalt  }
tec
execute0_lowered:
.L_overlay_start_1:
0x0: {  	(tag) =	ssettag $0x1  }
0x1: {  	v0 =	vimm.s32 $0x3801;
	vm0 =	vcmask $0x300  }
0x2: {  	s6 =	rddreg [dreg:$0x0];
	vm14 =	vcmask $0x704;
	v0 =	vsel vm0, $0x0, v0  }
0x3: {  	s0 =	rddreg [dreg:$0x1];
	vm15 =	vcmask $0xB08;
	v0 =	vsel vm14, $0x800, v0  }
0x4: {  	s1 =	rddreg [dreg:$0x2];
	vm4 =	vcmask $0xF0C;
	v0 =	vsel vm15, $0x1000, v0  }
0x5: {  	s9 =	rddreg [dreg:$0x3];
	s4 =	srdreg.scid;
	vm5 =	vcmask $0x1310;
	v0 =	vsel vm4, $0x1800, v0  }
0x6: {  	s2 =	rddreg [dreg:$0x4];
	s3 =	simm.s32 $0x0;
	vm6 =	vcmask $0x1714;
	s13 =	simm.s32 $0x1;
	v0 =	vsel vm5, $0x2000, v0  }
0x7: {  	vm7 =	vcmask $0x1B18;
	s14 =	simm.s32 $0x400;
	s15 =	simm.s32 $0x8000;
	s16 =	simm.s32 $0x8800;
	v0 =	vsel vm6, $0x2800, v0  }
0x8: {  	vm8 =	vcmask $0x1F1C;
	s17 =	simm.s32 $0x9000;
	s18 =	simm.s32 $0xD000;
	s19 =	simm.s32 $0x0;
	v0 =	vsel vm7, $0x3000, v0  }
0x9: {  	vm9 =	vcmask $0x2320;
	s7 =	sand.u32 $0x1, s4;
	[smem:$0x7FF] =	sst s3;
	s4 =	stileid.u32;
	v0 =	vsel vm8, $0x3800, v0  }
0xa: {  	vm10 =	vcmask $0x2724;
	s5 =	sadd.s32 $0x800, s9;
	s9 =	sadd.s32 $0x80800, s9;
	s8 =	ssub.s32 $0x2, s7;
	v0 =	vsel vm9, $0x1, v0  }
0xb: {  	vm11 =	vcmask $0x2B28;
	_ =	strace $0x80000047;
	s30 =	sshll.u32 s4, $0x6;
	s11 =	sshrl.u32 s4, $0x2;
	v0 =	vsel vm10, $0x801, v0  }
.Ltmp0:
0xc: {  	vm12 =	vcmask $0x2F2C;
	s7 =	sshll.u32 s7, $0x5;
	s10 =	sshrl.u32 s8, $0x1;
	v0 =	vsel vm11, $0x1001, v0;
	(pc) =	sbr.rel .LBB2_1-.Ltmp0, $4  }
0xd: {  	vm13 =	vcmask $0x3330;
	s12 =	sshll.u32 s11, $0x4;
	s31 =	sshll.u32 s11, $0x8;
	s11 =	sshll.u32 s11, $0x9;
	v0 =	vsel vm12, $0x1801, v0  }
0xe: {  	vm14 =	vcmask $0x3734;
	s10 =	ssub.s32 s8, s10;
	s8 =	sand.u32 $0xC0, s30;
	s6 =	sadd.s32 s6, s12;
	v0 =	vsel vm13, $0x2001, v0  }
0xf: {  	v1 =	vlaneseq.u32;
	vm15 =	vcmask $0x3B38;
	s12 =	simm.s32 $0x200;
	s8 =	sor.u32 s7, s8;
	s10 =	smax.u32 s10, $0x1;
	v0 =	vsel vm14, $0x2801, v0  }
0x10: {  	v1 =	vshrl.u32 v1, $0x3;
	s7 =	sor.u32 s31, s8;
	s8 =	sor.u32 s11, s8;
	s11 =	simm.s32 $0x80;
	v0 =	vsel vm15, $0x3001, v0  }
.LBB2_10:
0x11: {  	s19 =	sadd.s32 $0x1, s19  }
0x12: {  	p0 =	sne.s32 s19, s10  }
.Ltmp1:
0x13: {  	_ = 	snop;
	(pc) =	sbr.rel @!p0 .LBB2_11-.Ltmp1, $1  }
0x14: {  	_ =	sdelay $0x3  }
.LBB2_1:
0x15: {  	v2 =	vor.u32 s3, v0  }
0x16: {  	[tilespmem:s3], [sflag:$0x1] =	stream.strided.gather [hbm4b:s6+s11], $0x4000, s12, s11, $0x38;
	[tilespmem:$0x11000] =	vst v63  }
0x17: {  	_ =	swait.ge [sflag:s13], $0x4000  }
0x18: {  	[sflag:s13] =	ssyncset.done $0x0  }
0x19: {  	[sflag:s13] =	ssyncadd.s32 $0xFFFFC000  }
0x1a: {  	s20 =	simm.s32 $0x2;
	v2 =	vld.idx.msk [tilespmem:v2+s3+$0x0], $0xffff  }
0x1b: {  	v3 =	vor.u32 s20, v0;
	_ =	sdelay $0x2  }
0x1c: {  	s21 =	simm.s32 $0x4000  }
0x1d: {  	[tilespmem:s21+$0x0] =	vst v2  }
0x1e: {  	s31 =	simm.s32 $0x4;
	v2 =	vld.idx.msk [tilespmem:v3+s3+$0x0], $0xffff  }
0x1f: {  	s22 =	simm.s32 $0x6;
	v3 =	vor.u32 s31, v0  }
.LBB2_2:
0x20: {  	p0 =	sne.s32 s22, $0x7FE;
	_ =	sdelay $0x1  }
.Ltmp2:
0x21: {  	s21 =	sadd.s32 $0x10, s21;
	(pc) =	sbr.rel @p0 .LBB2_2-.Ltmp2, $3  }
0x22: {  	s20 =	simm.s32 $0x0;
	[tilespmem:s21+$0x0] =	vst v2  }
0x23: {  	v2 =	vld.idx.msk [tilespmem:v3+s20+$0x0], $0xffff;
	_ =	sdelay $0x1  }
0x24: {  	v3 =	vor.u32 s22, v0;
	s22 =	sadd.s32 $0x2, s22  }
0x25: {  	_ =	sdelay $0x1  }
0x26: {  	s21 =	sadd.s32 $0x10, s21  }
0x27: {  	[tilespmem:s21+$0x0] =	vst v2  }
0x28: {  	v2 =	vld.idx.msk [tilespmem:v3+s20+$0x0], $0xffff;
	_ =	sdelay $0x3  }
0x29: {  	s21 =	sadd.s32 $0x10, s21  }
0x2a: {  	[tilespmem:s21+$0x0] =	vst v2;
	s21 =	simm.s32 $0x0  }
.LBB2_4:
0x2b: {  	s22 =	sadd.s32 s7, s21  }
0x2c: {  	s23 =	sshll.u32 s21, $0x4;
	s22 =	sshll.u32 s22, $0x8  }
0x2d: {  	s24 =	sand.u32 $0xFFFF800, s22;
	s22 =	sand.u32 $0x70, s23  }
0x2e: {  	s23 =	sor.u32 s22, s24  }
0x2f: {  	s24 =	sadd.s32 s0, s23  }
0x30: {  	[tilespmem:s15], [sflag:$0x1] =	stream.strided.gather [hbm4b:s24+s11], $0x800, s14, s11, $0x38;
	[tilespmem:$0x11000] =	vst v63  }
0x31: {  	_ =	swait.ge [sflag:s13], $0x800  }
0x32: {  	[sflag:s13] =	ssyncset.done $0x0  }
0x33: {  	p1 =	por $0x1, $0x1;
	s23 =	sadd.s32 s1, s23;
	[sflag:s13] =	ssyncadd.s32 $0xFFFFF800  }
0x34: {  	[tilespmem:s16], [sflag:$0x1] =	stream.strided.gather [hbm4b:s23+s11], $0x800, s14, s11, $0x38;
	[tilespmem:$0x11000] =	vst v63  }
.Ltmp3:
0x35: {  	_ = 	snop;
	(pc) =	sbr.rel @!p1 .LBB2_5-.Ltmp3, $4  }
0x36: {  	_ =	swait.ge [sflag:s13], $0x800  }
0x37: {  	[sflag:s13] =	ssyncset.done $0x0  }
0x38: {  	s25 =	simm.s32 $0x4000;
	p0 =	por $0x0, $0x0;
	[sflag:s13] =	ssyncadd.s32 $0xFFFFF800  }
0x39: {  	s24 =	simm.s32 $0x9000;
	s23 =	simm.s32 $0xD000;
	v2 =	vld [tilespmem:s25+$0x0];
	s25 =	simm.s32 $0x2  }
0x3a: {  	_ =	sdelay $0x3  }
0x3b: {  	v3 =	vor.u32 s20, v1;
	_ =	sdelay $0x3  }
0x3c: {  	v2 =	vld.idx.msk [tilespmem:v2+s15+$0x0], $0xffff  }
0x3d: {  	v3 =	vld.idx.msk [tilespmem:v3+s16+$0x0], $0xffff;
	_ =	sdelay $0x4  }
0x3e: {  	p1 =	por $0x1, $0x1;
	v2 =	vsub.f32 v2, v3  }
.Ltmp4:
0x3f: {  	_ = 	snop;
	(pc) =	sbr.rel @!p1 .LBB2_7-.Ltmp4, $4  }
0x40: {  	[tilespmem:s24+$0x0] =	vst v2  }
0x41: {  	s29 =	simm.s32 $0x4010;
	[tilespmem:s23+$0x0] =	vst v3  }
0x42: {  	s30 =	simm.s32 $0x4;
	v2 =	vld [tilespmem:s29+$0x0]  }
0x43: {  	p0 =	por $0x1, $0x1;
	s26 =	simm.s32 $0x9000;
	s28 =	simm.s32 $0xD000  }
.LBB2_8:
0x44: {  	p1 =	sne.s32 s30, $0x7FE;
	v3 =	vor.u32 s25, v1;
	s25 =	smov.u32 s30;
	_ =	sdelay $0x4  }
0x45: {  	v3 =	vld.idx.msk [tilespmem:v3+s16+$0x0], $0xffff  }
0x46: {  	v2 =	vld.idx.msk [tilespmem:v2+s15+$0x0], $0xffff;
	_ =	sdelay $0x5  }
0x47: {  	v2 =	vsub.f32 v2, v3  }
.Ltmp5:
0x48: {  	s26 =	sadd.s32 $0x10, s26;
	(pc) =	sbr.rel @p1 .LBB2_8-.Ltmp5, $4  }
0x49: {  	s28 =	sadd.s32 $0x10, s28;
	[tilespmem:s26+$0x0] =	vst v2  }
0x4a: {  	s29 =	sadd.s32 $0x10, s29;
	[tilespmem:s28+$0x0] =	vst v3  }
0x4b: {  	v2 =	vld [tilespmem:s29+$0x0]  }
0x4c: {  	s30 =	sadd.s32 $0x2, s30  }
.LBB2_9:
0x4d: {  	_ =	sdelay $0x2  }
0x4e: {  	v3 =	vor.u32 s25, v1;
	_ =	sdelay $0x3  }
0x4f: {  	v2 =	vld.idx.msk [tilespmem:v2+s15+$0x0], $0xffff  }
0x50: {  	v3 =	vld.idx.msk [tilespmem:v3+s16+$0x0], $0xffff;
	_ =	sdelay $0x4  }
0x51: {  	s25 =	sadd.s32 @p0 $0x10, s26;
	s31 =	sadd.s32 s8, s21;
	v2 =	vsub.f32 v2, v3  }
0x52: {  	s24 =	smov.u32 @p0 s25;
	s25 =	sadd.s32 @p0 $0x10, s28;
	s26 =	sshll.u32 s31, $0xB  }
0x53: {  	s29 =	sadd.s32 s5, s22;
	s23 =	smov.u32 @p0 s25;
	s28 =	sand.u32 $0xFFFC000, s26;
	[tilespmem:s24+$0x0] =	vst v2  }
0x54: {  	s30 =	sadd.s32 s28, s29;
	[tilespmem:s23+$0x0] =	vst v3  }
0x55: {  	[hbm4b:s30+s11] =	stream.strided.scatter [tilespmem:s17], [sflag:$0x1], $0x4000, s14, s11, $0x38;
	[tilespmem:$0x11000] =	vst v63  }
0x56: {  	_ =	swait.ge [sflag:s13], $0x4000  }
0x57: {  	s21 =	sadd.s32 $0x1, s21;
	s31 =	sadd.s32 s22, s9;
	[sflag:s13] =	ssyncset.done $0x0  }
0x58: {  	p0 =	sne.s32 s21, $0x20;
	s22 =	sadd.s32 s28, s31;
	[sflag:s13] =	ssyncadd.s32 $0xFFFFC000  }
0x59: {  	[hbm4b:s22+s11] =	stream.strided.scatter [tilespmem:s18], [sflag:$0x1], $0x4000, s14, s11, $0x38;
	[tilespmem:$0x11000] =	vst v63  }
.Ltmp6:
0x5a: {  	_ = 	snop;
	(pc) =	sbr.rel @p0 .LBB2_4-.Ltmp6, $4  }
.Ltmp7:
0x5b: {  	_ = 	snop;
	(pc) =	sbr.rel @!p0 .LBB2_10-.Ltmp7, $4  }
0x5c: {  	_ =	swait.ge [sflag:s13], $0x4000  }
0x5d: {  	[sflag:s13] =	ssyncset.done $0x0  }
0x5e: {  	[sflag:s13] =	ssyncadd.s32 $0xFFFFC000  }
0x5f: {  	_ = 	snop  }
.LBB2_5:
.Ltmp8:
0x60: {  	(pc) =	sbr.rel .LBB2_9-.Ltmp8, $2  }
0x61: {  	_ =	sdelay $0x2  }
0x62: {  	s25 =	simm.s32 $0x0;
	s26 =	simm.s32 $0x9000;
	s28 =	simm.s32 $0xD000  }
.LBB2_7:
.Ltmp9:
0x63: {  	(pc) =	sbr.rel .LBB2_9-.Ltmp9, $2  }
0x64: {  	_ =	sdelay $0x2  }
0x65: {  	s26 =	simm.s32 $0x9000;
	s28 =	simm.s32 $0xD000  }
.LBB2_11:
0x66: {  	_ =	sfence.sel $0x180000  }
0x67: {  	[bflag:$0x0] =	sbarrier.arrive $0xFFFF  }
0x68: {  	p0 =	sne.s32 s4, $0x0;
	_ =	strace $0x90000047  }
0x69: {  	s0 =	sadd.s32 @!p0 $0x100000, s2;
	[bflag:$0x2] =	sbarrier.arrive $0xFFFF  }
0x6a: {  	[sflag:s0] =	ssyncadd.tile.s32 @!p0 $0x1;
	_ =	shalt  }
.Lfunc_end2:
_tile_overlayer_lowered:
.L_overlay_start_2:
0x6b: {  	(tag) =	ssettag $0x2  }
0x6c: {  	s0 =	rddreg [dreg:$0x0];
	s2 =	stileid.u32  }
0x6d: {  	s1 =	rddreg [dreg:$0x1];
	p0 =	sne.s32 s2, $0x0  }
0x6e: {  	s3 =	rddreg [dreg:$0x2];
	[bflag:$0x3] =	sbarrier.arrive $0xFFFF;
	s2 =	simm.s32 @!p0 $0x1C01  }
0x6f: {  	[timem:s3], [sflag:s2] =	dma.local @!p0 [hbm:s0], s1  }
0x70: {  	s0 =	simm.s32 @!p0 $0x1  }
0x71: {  	_ =	swait.ge @!p0 [sflag:s0], s1  }
0x72: {  	s1 =	ssub.s32 @!p0 $0x0, s1;
	[sflag:s0] =	ssyncset.done @!p0 $0x0  }
0x73: {  	[sflag:s0] =	ssyncadd.s32 @!p0 s1  }
0x74: {  	[bflag:$0x3] =	sbarrier.arrive $0xFFFF  }
0x75: {  	_ =	shalt  }

// kernel: sparse-core-data-format-call.cloned.1.call-start
scs
called_computation_lowered:
.L_overlay_start_0:
0x0: {  	s2 =	sld [smem:$0x3FD9]  }
0x1: {  	s3 =	sld [smem:$0x3FFE];
	_ =	sdelay $0x1  }
0x2: {  	s1 =	srdreg.scid  }
0x3: {  	s0 =	sand.u32 $0x1, s1  }
0x4: {  	s18 =	sshll.u32 s0, $0xA;
	s2 =	sadd.s32 s3, s2  }
0x5: {  	s2 =	sadd.s32 s2, s18  }
0x6: {  	[smem:$0x3FC4] =	sst s2  }
0x7: {  	_ = 	snop  }
0x8: {  	s2 =	sld [smem:$0x3FD0];
	(tm) =	ssettm $0x1  }
0x9: {  	s19 =	sld [smem:$0x3FFB];
	_ =	sdelay $0x3  }
0xa: {  	_ =	strace s19  }
0xb: {  	s3 =	sld [smem:$0x3FFC];
	_ =	sdelay $0x3  }
0xc: {  	_ =	strace s3  }
0xd: {  	s3 =	sld [smem:$0x3FFD];
	_ =	sdelay $0x3  }
0xe: {  	_ =	strace s3  }
0xf: {  	_ =	strace $0x8FFFFFFF  }
0x10: {  	s20 =	sld [smem:$0x3FDB];
	_ =	sdelay $0x1  }
0x11: {  	s4 =	simm.s32 $_scs_section_size  }
0x12: {  	s5 =	simm.s32 $_size__tile_overlayer_lowered;
	s6 =	simm.s32 $_tile_overlayer_lowered  }
0x13: {  	s23 =	simm.s32 $0x1BFF;
	s22 =	sshll.u32 s6, $0x1;
	s3 =	sadd.s32 s4, s20  }
0x14: {  	s7 =	simm.s32 $0x0;
	s21 =	sshll.u32 s5, $0x1;
	s5 =	sadd.s32 s22, s3  }
0x15: {  	[timem:s7], [sflag:s23] =	dma.local [hbm:s5], s21  }
0x16: {  	_ =	swait.ge [sflag:s23], s21  }
0x17: {  	s4 =	ssub.s32 $0x0, s21;
	[sflag:s23] =	ssyncset.done $0x0  }
0x18: {  	[sflag:s23] =	ssyncadd.s32 s4;
	_ =	sdelay $0x1  }
0x19: {  	s24 =	simm.s32 $0x1B8B  }
0x1a: {  	_ =	swait.ge [sflag:s24], $0x1  }
0x1b: {  	[sflag:s24] =	ssyncset.done $0x0  }
0x1c: {  	s26 =	simm.s32 $0x1B8E;
	s25 =	sld [smem:$0x3FFE];
	[sflag:s24] =	ssyncadd.s32 $0xFFFFFFFF  }
0x1d: {  	s27 =	simm.s32 $execute0_lowered;
	[smem:$0x3FD2] =	sst s26  }
0x1e: {  	s5 =	sshll.u32 s27, $0x1;
	_ =	strace $0x80000049;
	[dreg:$0x1] =	wrdreg $0xFFFFFFFF  }
0x1f: {  	s28 =	simm.s32 $_size_execute0_lowered;
	s3 =	sadd.s32 s3, s5;
	[dreg:$0x0] =	wrdreg $0x0  }
0x20: {  	s5 =	sshll.u32 s28, $0x1;
	[dreg:$0x2] =	wrdreg s3  }
0x21: {  	[dreg:$0x3] =	wrdreg s5  }
0x22: {  	[dreg:$0x4] =	wrdreg $0xC0  }
0x23: {  	_ =	task [dreg:s7], $0x5FFFF  }
0x24: {  	[dreg:$0x1] =	wrdreg $0xFFFFFFFF  }
0x25: {  	[dreg:$0x0] =	wrdreg $0x60  }
0x26: {  	[dreg:$0x2] =	wrdreg s25  }
0x27: {  	[dreg:$0x3] =	wrdreg s2  }
0x28: {  	[dreg:$0x4] =	wrdreg $0x9  }
0x29: {  	_ =	task.clear_ibuf [dreg:s7], $0x5FFFF;
	_ =	strace $0x90000049  }
0x2a: {  	s29 =	simm.s32 $0x9;
	_ =	strace $0x8000004B  }
0x2b: {  	_ =	swait.ge [sflag:s29], $0x1  }
0x2c: {  	[sflag:s29] =	ssyncadd.s32 $0xFFFFFFFF  }
0x2d: {  	_ =	strace $0x9000004B  }
0x2e: {  	_ =	sfence  }
0x2f: {  	s30 =	sld [smem:$0x0];
	_ =	sdelay $0x2  }
0x30: {  	s31 =	sshll.u32 s1, $0xD;
	s1 =	sshrl.u32 s1, $0x2  }
0x31: {  	s3 =	sand.u32 $0x4000, s31;
	s1 =	sadd.s32 s1, s30  }
0x32: {  	s0 =	sor.u32 s3, s0;
	s1 =	sshll.u32 s1, $0x11  }
0x33: {  	s0 =	sor.u32 s1, s0  }
0x34: {  	s0 =	sadd.s32 $0x8F2B, s0  }
0x35: {  	[sflag:s0] =	ssyncadd.remote.s32 $0x1  }
0x36: {  	_ =	sfence.sel $0xFFFF  }
0x37: {  	[dreg:$0x0] =	wrdreg $0xFFFFFFFF;
	(pc) =	sbr.abs _section_cstart, $3  }
0x38: {  	[dreg:$0x1] =	wrdreg $0xFFFFFFFF  }
0x39: {  	_ =	task.clear_ibuf [dreg:s7], $0x2FFFF;
	_ =	strace $0x9FFFFFFF  }
0x3a: {  	(tm) =	ssettm $0x7FFFFFFF  }
0x3b: {  	_ =	shalt  }
tec
execute0_lowered:
.L_overlay_start_1:
0x0: {  	(tag) =	ssettag $0x1  }
0x1: {  	s0 =	stileid.u32;
	s2 =	srdreg.scid  }
0x2: {  	s7 =	rddreg [dreg:$0x0];
	s5 =	simm.s32 $0x1;
	s31 =	simm.s32 $0x2  }
0x3: {  	s15 =	simm.s32 $0x0;
	s9 =	simm.s32 $0x4000;
	s17 =	simm.s32 $0x0  }
0x4: {  	s18 =	simm.s32 $0x0;
	s16 =	simm.s32 $0x0;
	s1 =	sshll.u32 s0, $0x7  }
0x5: {  	s10 =	simm.s32 $0x0;
	s11 =	simm.s32 $0x0;
	s3 =	ssub.s32 $0x800, s1  }
0x6: {  	s14 =	simm.s32 $0x0;
	s2 =	sand.u32 $0x1, s2;
	s4 =	sand.u32 $0x780, s3  }
0x7: {  	s7 =	sadd.s32 $0x800, s7;
	s6 =	ssub.s32 $0x8, s2;
	p0 =	sne.s32 s4, $0x0  }
0x8: {  	s3 =	sshrl.u32 s3, $0xB;
	s8 =	sshrl.u32 s6, $0x1;
	s5 =	simm.s32 @!p0 $0x0  }
.Ltmp0:
0x9: {  	s6 =	ssub.s32 s6, s8;
	s5 =	sadd.s32 s5, s3;
	(pc) =	sbr.rel .LBB1_1-.Ltmp0, $4  }
0xa: {  	s12 =	smov.u32 s2;
	s4 =	rddreg [dreg:$0x1];
	s6 =	smul.u32 s5, s6  }
0xb: {  	s3 =	rddreg [dreg:$0x2];
	_ =	strace $0x8000004A;
	s5 =	simm.s32 $0x1  }
0xc: {  	s13 =	smov.u32 s1;
	[sflag:s5] =	ssyncpa.u1 $0x0;
	s6 =	sshll.u32 s6, $0x4  }
0xd: {  	p0 =	por $0x0, $0x0;
	[sflag:s31] =	ssyncpa.u1 $0x0;
	s8 =	sor.u32 $0x1, s6  }
.LBB1_4:
0xe: {  	v5 =	vld [tilespmem:s22+$0xFFFFFFD0];
	[tilespmem:s21+$0x2040 ss:$0x81] =	vst.msk $0xffff, v1  }
0xf: {  	v58 =	vld [tilespmem:s22+$0xFFFFFFE0];
	[tilespmem:s21+$0x2850 ss:$0x81] =	vst.msk $0xffff, v2  }
0x10: {  	s23 =	sshra.s32 s23, $0x2;
	v59 =	vld [tilespmem:s22+$0xFFFFFFF0];
	[tilespmem:s21+$0x3060 ss:$0x81] =	vst.msk $0xffff, v3  }
0x11: {  	v60 =	vld [tilespmem:s22+$0x0];
	[tilespmem:s21+$0x0 ss:$0x81] =	vst.msk $0xffff, v0;
	s20 =	sadd.s32 s23, s20  }
0x12: {  	v61 =	vld [tilespmem:s22+$0x10];
	[tilespmem:s20+$0x3870 ss:$0x81] =	vst.msk $0xffff, v4  }
0x13: {  	v62 =	vld [tilespmem:s22+$0x20];
	s27 =	sshll.u32 s16, $0x3;
	[tilespmem:s20+$0x810 ss:$0x81] =	vst.msk $0xffff, v5  }
0x14: {  	v63 =	vld [tilespmem:s22+$0xFFFFFFC0];
	s28 =	sand.u32 $0x78, s16;
	s18 =	sshll.u32 s18, $0x7;
	s29 =	sand.u32 $0x700, s16;
	[tilespmem:s20+$0x1020 ss:$0x81] =	vst.msk $0xffff, v58  }
0x15: {  	s17 =	sshll.u32 s17, $0x14;
	s15 =	sshll.u32 s15, $0xB;
	s21 =	sand.u32 $0x400, s27;
	[tilespmem:s20+$0x1830 ss:$0x81] =	vst.msk $0xffff, v59  }
0x16: {  	s18 =	sand.u32 $0x380, s18;
	s30 =	sadd.s32 s4, s29;
	s21 =	sor.u32 s28, s21;
	[tilespmem:s20+$0x2040 ss:$0x81] =	vst.msk $0xffff, v60  }
0x17: {  	s31 =	sand.u32 $0x7, s16;
	s17 =	sadd.s32 s17, s30;
	s18 =	sor.u32 s18, s21;
	[tilespmem:s20+$0x2850 ss:$0x81] =	vst.msk $0xffff, v61  }
0x18: {  	s16 =	sshll.u32 s31, $0x12;
	s15 =	sadd.s32 s15, s17;
	s18 =	sshrl.u32 s18, $0x3;
	[tilespmem:s20+$0x3060 ss:$0x81] =	vst.msk $0xffff, v62  }
0x19: {  	s16 =	sor.u32 $0x80, s16;
	[tilespmem:s20+$0x0 ss:$0x81] =	vst.msk $0xffff, v63;
	s15 =	sadd.s32 s18, s15  }
0x1a: {  	[hbm4b:s15+s16] =	stream.strided.scatter [tilespmem:s19], [sflag:$0x2], $0x4000, s9, s16, $0x20;
	[tilespmem:$0x10100] =	vst v63  }
.LBB1_5:
0x1b: {  	s19 =	sadd.s32 $0x80, s10  }
0x1c: {  	s15 =	simm.s32 $0x1;
	p2 =	sgt.s32 s19, $0x1FF  }
0x1d: {  	s15 =	simm.s32 @!p2 $0x0  }
0x1e: {  	s20 =	sadd.s32 s15, s11  }
0x1f: {  	s21 =	smov.u32 s12;
	s15 =	sadd.s32 $0x2, s12;
	p3 =	sgt.s32 s20, $0x3  }
0x20: {  	s21 =	smov.u32 @p3 s15  }
0x21: {  	s22 =	smov.u32 s13;
	s15 =	sadd.s32 $0x800, s13;
	p4 =	sgt.s32 s21, $0x7  }
0x22: {  	p1 =	slt.u32 s14, $0x2;
	s22 =	smov.u32 @p4 s15  }
0x23: {  	s17 =	smov.u32 s11;
	s19 =	simm.s32 @p2 $0x0;
	p2 =	sgt.s32 s22, $0x7FF  }
0x24: {  	s23 =	simm.s32 @!p1 $0x2;
	s22 =	smov.u32 @p2 s1;
	p2 =	sne.s32 s14, s8  }
.Ltmp1:
0x25: {  	s18 =	smov.u32 s12;
	_ =	swait.ge @!p1 [sflag:s23], $0x4000;
	(pc) =	sbr.rel @!p2 .LBB1_6-.Ltmp1, $4  }
0x26: {  	s16 =	smov.u32 s13;
	[sflag:s23] =	ssyncset.done @!p1 $0x0;
	s20 =	simm.s32 @p3 $0x0  }
0x27: {  	p0 =	por !p0, !p0;
	[sflag:s23] =	ssyncadd.s32 @!p1 $0xFFFFC000;
	s11 =	smov.u32 s20  }
0x28: {  	s21 =	smov.u32 @p4 s2;
	s15 =	smov.u32 s10;
	s10 =	smov.u32 s19  }
0x29: {  	s12 =	smov.u32 s21;
	s14 =	sadd.s32 $0x1, s14;
	s13 =	smov.u32 s22  }
.LBB1_1:
0x2a: {  	p1 =	sge.u32 s14, s6  }
0x2b: {  	s31 =	sadd.s32 $0xFFFFFFFF, s14;
	s19 =	sxor.u32 @!p1 $0xFFFFFFFF, s14;
	s20 =	sshll.u32 @!p1 s11, $0x7  }
0x2c: {  	s21 =	sand.u32 @!p1 $0x78, s10;
	s22 =	sshll.u32 @!p1 s12, $0x8;
	s20 =	sand.u32 @!p1 $0x180, s20  }
0x2d: {  	s23 =	sshrl.u32 @!p1 s10, $0x1;
	s20 =	sor.u32 @!p1 s21, s20;
	s21 =	sshll.u32 @!p1 s13, $0xB  }
0x2e: {  	s19 =	sshll.u32 @!p1 s19, $0xE;
	s23 =	sand.u32 @!p1 $0xC0, s23;
	s21 =	sadd.s32 @!p1 s7, s21  }
0x2f: {  	s19 =	sand.u32 @!p1 $0x4000, s19;
	s21 =	sadd.s32 @!p1 s22, s21;
	s22 =	sand.u32 @!p1 $0x7, s10  }
0x30: {  	s20 =	sshrl.u32 @!p1 s20, $0x3;
	s21 =	sadd.s32 @!p1 s23, s21;
	s22 =	sshll.u32 @!p1 s22, $0x12  }
0x31: {  	s20 =	sadd.s32 @!p1 s20, s21;
	s21 =	sor.u32 @!p1 $0x80, s22;
	s22 =	simm.s32 @!p1 $0x4000  }
0x32: {  	[tilespmem:s19], [sflag:$0x1] =	stream.strided.gather @!p1 [hbm4b:s20+s21], $0x4000, s22, s21, $0x38;
	[tilespmem:$0x10100] =	vst v63  }
0x33: {  	p1 =	sge.u32 s31, s6  }
.Ltmp2:
0x34: {  	_ = 	snop;
	(pc) =	sbr.rel @p1 .LBB1_5-.Ltmp2, $1  }
0x35: {  	_ =	sdelay $0x3  }
0x36: {  	s19 =	simm.s32 $0x1  }
0x37: {  	_ =	swait.ge [sflag:s5], $0x4000;
	s19 =	simm.s32 @!p0 $0x0  }
0x38: {  	[sflag:s5] =	ssyncset.done $0x0;
	s20 =	sshll.u32 s19, $0xE  }
0x39: {  	[sflag:s5] =	ssyncadd.s32 $0xFFFFC000;
	s22 =	sor.u32 $0x40, s20  }
0x3a: {  	s19 =	smul.u32 $0x10200, s19;
	v0 =	vld [tilespmem:s22+$0x30]  }
0x3b: {  	v3 =	vld [tilespmem:s22+$0xFFFFFFD0]  }
0x3c: {  	s19 =	sshrl.u32 s19, $0x2;
	v4 =	vld [tilespmem:s22+$0xFFFFFFE0]  }
0x3d: {  	v5 =	vld [tilespmem:s22+$0xFFFFFFF0];
	s20 =	sor.u32 $0x8000, s19  }
0x3e: {  	s31 =	sand.u32 $0x1, s14;
	v1 =	vld [tilespmem:s22+$0x0];
	s21 =	sadd.s32 $0x0, s20  }
0x3f: {  	v2 =	vld [tilespmem:s22+$0x10];
	s19 =	smul.u32 $0x10200, s31;
	[tilespmem:s21+$0x3870 ss:$0x81] =	vst.msk $0xffff, v0  }
0x40: {  	[tilespmem:s21+$0x810 ss:$0x81] =	vst.msk $0xffff, v3;
	v3 =	vld [tilespmem:s22+$0x20]  }
0x41: {  	s19 =	sshrl.u32 s19, $0x2;
	v0 =	vld [tilespmem:s22+$0xFFFFFFC0];
	[tilespmem:s21+$0x1020 ss:$0x81] =	vst.msk $0xffff, v4;
	s22 =	sadd.s32 $0x80, s22  }
0x42: {  	s23 =	simm.s32 $0x4;
	s24 =	simm.s32 $0x8;
	s19 =	sor.u32 $0x8000, s19;
	[tilespmem:s21+$0x1830 ss:$0x81] =	vst.msk $0xffff, v5;
	v4 =	vld [tilespmem:s22+$0x30]  }
.LBB1_3:
0x43: {  	p1 =	sne.s32 s24, $0x1FC;
	v5 =	vld [tilespmem:s22+$0xFFFFFFD0];
	[tilespmem:s21+$0x2040 ss:$0x81] =	vst.msk $0xffff, v1  }
0x44: {  	v6 =	vld [tilespmem:s22+$0xFFFFFFE0];
	[tilespmem:s21+$0x2850 ss:$0x81] =	vst.msk $0xffff, v2  }
0x45: {  	s25 =	sshra.s32 s23, $0x2;
	s23 =	smov.u32 s24;
	v7 =	vld [tilespmem:s22+$0xFFFFFFF0];
	[tilespmem:s21+$0x3060 ss:$0x81] =	vst.msk $0xffff, v3  }
.Ltmp3:
0x46: {  	v1 =	vld [tilespmem:s22+$0x0];
	[tilespmem:s21+$0x0 ss:$0x81] =	vst.msk $0xffff, v0;
	s21 =	sadd.s32 s25, s20;
	(pc) =	sbr.rel @p1 .LBB1_3-.Ltmp3, $4  }
0x47: {  	v2 =	vld [tilespmem:s22+$0x10];
	[tilespmem:s21+$0x3870 ss:$0x81] =	vst.msk $0xffff, v4  }
0x48: {  	[tilespmem:s21+$0x810 ss:$0x81] =	vst.msk $0xffff, v5;
	v3 =	vld [tilespmem:s22+$0x20]  }
0x49: {  	v0 =	vld [tilespmem:s22+$0xFFFFFFC0];
	[tilespmem:s21+$0x1020 ss:$0x81] =	vst.msk $0xffff, v6;
	s22 =	sadd.s32 $0x80, s22  }
0x4a: {  	s24 =	sadd.s32 $0x4, s24;
	v4 =	vld [tilespmem:s22+$0x30];
	[tilespmem:s21+$0x1830 ss:$0x81] =	vst.msk $0xffff, v7  }
.Ltmp4:
0x4b: {  	_ = 	snop;
	(pc) =	sbr.rel .LBB1_4-.Ltmp4, $1  }
0x4c: {  	_ =	sdelay $0x3  }
.LBB1_6:
0x4d: {  	_ =	sfence.sel $0x180000  }
0x4e: {  	s1 =	simm.s32 $0x1;
	[bflag:$0x0] =	sbarrier.arrive $0xFFFF  }
0x4f: {  	s31 =	simm.s32 $0x2;
	[sflag:s1] =	ssyncpa.u1 $0x1  }
0x50: {  	[sflag:s31] =	ssyncpa.u1 $0x1  }
0x51: {  	p0 =	sne.s32 s0, $0x0;
	_ =	strace $0x9000004A  }
0x52: {  	s0 =	sadd.s32 @!p0 $0x100000, s3;
	[bflag:$0x2] =	sbarrier.arrive $0xFFFF  }
0x53: {  	[sflag:s0] =	ssyncadd.tile.s32 @!p0 $0x1;
	_ =	shalt  }
.Lfunc_end1:
_tile_overlayer_lowered:
.L_overlay_start_2:
0x54: {  	(tag) =	ssettag $0x2  }
0x55: {  	s0 =	rddreg [dreg:$0x0];
	s2 =	stileid.u32  }
0x56: {  	s1 =	rddreg [dreg:$0x1];
	p0 =	sne.s32 s2, $0x0  }
0x57: {  	s3 =	rddreg [dreg:$0x2];
	[bflag:$0x3] =	sbarrier.arrive $0xFFFF;
	s2 =	simm.s32 @!p0 $0x1C01  }
0x58: {  	[timem:s3], [sflag:s2] =	dma.local @!p0 [hbm:s0], s1  }
0x59: {  	s0 =	simm.s32 @!p0 $0x1  }
0x5a: {  	_ =	swait.ge @!p0 [sflag:s0], s1  }
0x5b: {  	s1 =	ssub.s32 @!p0 $0x0, s1;
	[sflag:s0] =	ssyncset.done @!p0 $0x0  }
0x5c: {  	[sflag:s0] =	ssyncadd.s32 @!p0 s1  }
0x5d: {  	[bflag:$0x3] =	sbarrier.arrive $0xFFFF  }
0x5e: {  	_ =	shalt  }

</sc_bundles>
